<compile_context>
chip_gen: v7x
topology: tpu7x:2x2x1
jax: 0.10.2.dev20260603
libtpu: 0.0.44.dev20260713+nightly
codegen_flags: <defaults>
</compile_context>

<pallas_src>
import functools

import jax
import jax.numpy as jnp
from jax import lax
from jax.experimental import pallas as pl
from jax.experimental.pallas import tpu as pltpu
from jax.experimental.pallas import tpu_sc as plsc

N = 10000
E = 320000
D = 128
K = 2

SUB = 128
EP = 327680
DSUBS = 4
DNM = EP // (SUB * DSUBS)
SSUBS = 2
SNM = EP // (SUB * SSUBS)
NC = 2
NS = 16
NW = NC * NS
NP = 10240
RPS = NP // NS

_MESH = plsc.VectorSubcoreMesh(core_axis_name="c", subcore_axis_name="s")


DT = (DNM // NW) * DSUBS


def _deg_body(dst_hbm, zeros_hbm, ones_hbm, out_hbm, dst_v, ones_v, acc_sh):
    c = lax.axis_index("c")
    s = lax.axis_index("s")
    w = c * NS + s
    pltpu.sync_copy(zeros_hbm.at[pl.ds(s * RPS, RPS)],
                    acc_sh.at[pl.ds(s * RPS, RPS)])
    pltpu.sync_copy(ones_hbm, ones_v)
    pltpu.sync_copy(dst_hbm.at[c, pl.ds(s * DT, DT)], dst_v)
    plsc.subcore_barrier()

    def body(i, _):
        pltpu.sync_copy(ones_v, acc_sh.at[dst_v.at[i]], add=True)
        return ()

    lax.fori_loop(0, DT, body, ())
    plsc.subcore_barrier()
    pltpu.sync_copy(acc_sh.at[pl.ds(s * RPS, RPS)],
                    out_hbm.at[c, pl.ds(s * RPS, RPS)])


_deg_call = pl.kernel(
    _deg_body,
    out_type=jax.ShapeDtypeStruct((NC, NP, D), jnp.float32),
    mesh=_MESH,
    scratch_types=[
        pltpu.VMEM((DT, SUB), jnp.int32),
        pltpu.VMEM((SUB, D), jnp.float32),
        pltpu.VMEM_SHARED((NP, D), jnp.float32),
    ],
)


GM = 20
GT = GM * SSUBS


def _spmm_body(per_core, table_hbm, src_hbm, dst_hbm, zeros_hbm, out_hbm,
               src_v, dst_v, rows0_v, rows1_v, acc_sh, sem0, sem1):
    c = lax.axis_index("c")
    s = lax.axis_index("s")
    pltpu.sync_copy(zeros_hbm.at[pl.ds(s * RPS, RPS)],
                    acc_sh.at[pl.ds(s * RPS, RPS)])
    plsc.subcore_barrier()
    if per_core:
        mpw = SNM // NS
        base = s * mpw
    else:
        mpw = SNM // NW
        base = (c * NS + s) * mpw

    def group(g, _):
        t0 = (base + g * GM) * SSUBS
        pltpu.sync_copy(src_hbm.at[c, pl.ds(t0, GT)], src_v)
        pltpu.sync_copy(dst_hbm.at[pl.ds(t0, GT)], dst_v)
        pltpu.async_copy(table_hbm.at[src_v.at[0]], rows0_v, sem0)
        pltpu.async_copy(table_hbm.at[src_v.at[1]], rows1_v, sem1)

        def pair(i, _):
            t = 2 * i
            pltpu.make_async_copy(table_hbm.at[src_v.at[t]], rows0_v, sem0).wait()
            pltpu.sync_copy(rows0_v, acc_sh.at[dst_v.at[t]], add=True)

            @pl.when(t + 2 < GT)
            def _():
                pltpu.async_copy(table_hbm.at[src_v.at[t + 2]], rows0_v, sem0)

            pltpu.make_async_copy(table_hbm.at[src_v.at[t + 1]], rows1_v, sem1).wait()
            pltpu.sync_copy(rows1_v, acc_sh.at[dst_v.at[t + 1]], add=True)

            @pl.when(t + 3 < GT)
            def _():
                pltpu.async_copy(table_hbm.at[src_v.at[t + 3]], rows1_v, sem1)
            return ()

        lax.fori_loop(0, GT // 2, pair, ())
        return ()

    lax.fori_loop(0, mpw // GM, group, ())
    plsc.subcore_barrier()
    pltpu.sync_copy(acc_sh.at[pl.ds(s * RPS, RPS)],
                    out_hbm.at[c, pl.ds(s * RPS, RPS)])


def _make_spmm(per_core):
    return pl.kernel(
        functools.partial(_spmm_body, per_core),
        out_type=jax.ShapeDtypeStruct((NC, NP, D), jnp.float32),
        mesh=_MESH,
        scratch_types=[
            pltpu.VMEM((GT, SUB), jnp.int32),
            pltpu.VMEM((GT, SUB), jnp.int32),
            pltpu.VMEM((SUB, D), jnp.float32),
            pltpu.VMEM((SUB, D), jnp.float32),
            pltpu.VMEM_SHARED((NP, D), jnp.float32),
            pltpu.SemaphoreType.DMA,
            pltpu.SemaphoreType.DMA,
        ],
    )


_spmm_split = _make_spmm(False)
_spmm_perk = _make_spmm(True)


BLK = 1024
_GRID = NP // BLK


def _prep_body(deg_ref, x_ref, norm_ref, xn_ref):
    deg = deg_ref[0, :, 0:1] + deg_ref[1, :, 0:1]
    norm = lax.rsqrt(jnp.maximum(deg, 1.0))
    norm_ref[...] = norm
    xn_ref[...] = x_ref[...] * norm


_prep_call = pl.pallas_call(
    _prep_body,
    grid=(_GRID,),
    in_specs=[
        pl.BlockSpec((NC, BLK, D), lambda i: (0, i, 0)),
        pl.BlockSpec((BLK, D), lambda i: (i, 0)),
    ],
    out_specs=[
        pl.BlockSpec((BLK, 1), lambda i: (i, 0)),
        pl.BlockSpec((BLK, D), lambda i: (i, 0)),
    ],
    out_shape=[
        jax.ShapeDtypeStruct((NP, 1), jnp.float32),
        jax.ShapeDtypeStruct((NP, D), jnp.float32),
    ],
)


def _mid_body(parts_ref, norm_ref, w0_ref, b0_ref, v_ref, bv_ref, x_ref,
              h1n_ref):
    norm = norm_ref[...]
    x = x_ref[...]
    px = (parts_ref[0] + parts_ref[1]) * norm
    for k in range(K):
        xv = (jnp.dot(x, v_ref[k], preferred_element_type=jnp.float32)
              + bv_ref[k:k + 1, :])
        h1 = (jnp.dot(px, w0_ref[k], preferred_element_type=jnp.float32)
              + b0_ref[k:k + 1, :] + xv)
        h1n_ref[k] = h1 * norm


_mid_call = pl.pallas_call(
    _mid_body,
    grid=(_GRID,),
    in_specs=[
        pl.BlockSpec((NC, BLK, D), lambda i: (0, i, 0)),
        pl.BlockSpec((BLK, 1), lambda i: (i, 0)),
        pl.BlockSpec((K, D, D), lambda i: (0, 0, 0)),
        pl.BlockSpec((K, D), lambda i: (0, 0)),
        pl.BlockSpec((K, D, D), lambda i: (0, 0, 0)),
        pl.BlockSpec((K, D), lambda i: (0, 0)),
        pl.BlockSpec((BLK, D), lambda i: (i, 0)),
    ],
    out_specs=pl.BlockSpec((K, BLK, D), lambda i: (0, i, 0)),
    out_shape=jax.ShapeDtypeStruct((K, NP, D), jnp.float32),
)


def _final_body(agg_ref, norm_ref, w_ref, bw_ref, v_ref, bv_ref, x_ref,
                out_ref):
    norm = norm_ref[...]
    x = x_ref[...]
    acc = jnp.zeros((BLK, D), jnp.float32)
    for k in range(K):
        xv = (jnp.dot(x, v_ref[k], preferred_element_type=jnp.float32)
              + bv_ref[k:k + 1, :])
        t = agg_ref[k] * norm
        acc = acc + (jnp.dot(t, w_ref[k], preferred_element_type=jnp.float32)
                     + bw_ref[k:k + 1, :] + xv)
    out_ref[...] = acc * (1.0 / K)


_final_call = pl.pallas_call(
    _final_body,
    grid=(_GRID,),
    in_specs=[
        pl.BlockSpec((K, BLK, D), lambda i: (0, i, 0)),
        pl.BlockSpec((BLK, 1), lambda i: (i, 0)),
        pl.BlockSpec((K, D, D), lambda i: (0, 0, 0)),
        pl.BlockSpec((K, D), lambda i: (0, 0)),
        pl.BlockSpec((K, D, D), lambda i: (0, 0, 0)),
        pl.BlockSpec((K, D), lambda i: (0, 0)),
        pl.BlockSpec((BLK, D), lambda i: (i, 0)),
    ],
    out_specs=pl.BlockSpec((BLK, D), lambda i: (i, 0)),
    out_shape=jax.ShapeDtypeStruct((NP, D), jnp.float32),
)


def kernel(x, edge_index, W0, b0, W, bW, V, bV):
    src = edge_index[0].astype(jnp.int32)
    dst = edge_index[1].astype(jnp.int32)
    pad = EP - E
    spread = jnp.arange(pad, dtype=jnp.int32) % (NP - N)
    src = jnp.concatenate([src, spread])
    dst = jnp.concatenate([dst, N + spread])
    src3 = src.reshape(SNM * SSUBS, SUB)
    dst3 = dst.reshape(SNM * SSUBS, SUB)
    dst3d = dst.reshape(NC, (DNM // NC) * DSUBS, SUB)
    zeros128 = jnp.zeros((NP, D), jnp.float32)
    ones128 = jnp.ones((SUB, D), jnp.float32)

    x_pad = jnp.concatenate([x, jnp.zeros((NP - N, D), jnp.float32)])
    degp = _deg_call(dst3d, zeros128, ones128)
    norm, xn = _prep_call(degp, x_pad)

    src_split = jnp.stack([src3, src3])
    aggp = _spmm_split(xn, src_split, dst3, zeros128)
    h1n = _mid_call(aggp, norm, W0, b0, V, bV, x_pad)

    src_perk = jnp.stack([src3, src3 + NP])
    agg2 = _spmm_perk(h1n.reshape(K * NP, D), src_perk, dst3, zeros128)
    return _final_call(agg2, norm, W, bW, V, bV, x_pad)[:N]

# --- scband reference (transcript-rebuilt; emitter-appended) ---
"""Pipeline reference for scband-armaconv-58145267253837 (READ-ONLY COPY).

The authoritative reference and input builder live on the scoring server;
editing this copy changes nothing except your own understanding.
"""

import jax, jax.numpy as jnp
import numpy as np

N = 10000
E = 320000
D_IN = 128
D_OUT = 128
K = 2
T = 2


def setup_inputs(seed: int = 0):
    key = jax.random.key(seed)
    ks = jax.random.split(key, 8)
    x = jax.random.normal(ks[0], (N, D_IN), dtype=jnp.float32)
    edge_index = jax.random.randint(ks[1], (2, E), 0, N).astype(jnp.int64)
    s_in = 1.0 / np.sqrt(D_IN)
    s_out = 1.0 / np.sqrt(D_OUT)
    W0 = jax.random.uniform(ks[2], (K, D_IN, D_OUT), jnp.float32, -s_in, s_in)
    b0 = jax.random.uniform(ks[3], (K, D_OUT), jnp.float32, -s_in, s_in)
    W = jax.random.uniform(ks[4], (K, D_OUT, D_OUT), jnp.float32, -s_out, s_out)
    bW = jax.random.uniform(ks[5], (K, D_OUT), jnp.float32, -s_out, s_out)
    V = jax.random.uniform(ks[6], (K, D_IN, D_OUT), jnp.float32, -s_in, s_in)
    bV = jax.random.uniform(ks[7], (K, D_OUT), jnp.float32, -s_in, s_in)
    return {"x": x, "edge_index": edge_index, "W0": W0, "b0": b0, "W": W, "bW": bW, "V": V, "bV": bV}


def reference(x, edge_index, W0, b0, W, bW, V, bV):
    # ARMAConv (DGL semantics): copy_u -> sum aggregation over edges (src->dst),
    # symmetric-ish normalization by in-degree^{-1/2} applied before and after.
    src = edge_index[0]
    dst = edge_index[1]
    deg = jax.ops.segment_sum(jnp.ones((E,), jnp.float32), dst, num_segments=N)
    deg = jnp.maximum(deg, 1.0)
    norm = (deg ** -0.5)[:, None]
    init_feats = x
    output = None
    for k in range(K):
        feats = init_feats
        for t in range(T):
            feats = feats * norm
            # g.update_all(copy_u('h','m'), sum('m','h')): scatter-add src feats into dst
            agg = jax.ops.segment_sum(feats[src], dst, num_segments=N)
            feats = agg * norm
            if t == 0:
                feats = feats @ W0[k] + b0[k]
            else:
                feats = feats @ W[k] + bW[k]
            # dropout p=0.0 -> identity; activation=None -> identity
            feats = feats + (init_feats @ V[k] + bV[k])
        if output is None:
            output = feats
        else:
            output = output + feats
    return output / K

if __name__ == "__main__":
    import jax
    _d = setup_inputs()
    print(jax.jit(kernel)(*tuple(_d.values())))

</pallas_src>

<mosaic_0001>
#map = affine_map<(d0, d1) -> (0, 0, 0)>
#map1 = affine_map<(d0, d1) -> (0, 0)>
module attributes {stable_mosaic.version = 14 : i64} {
  func.func @_deg_body(%arg0: i32, %arg1: i32, %arg2: memref<2x1280x128xi32, #tpu.memory_space<hbm>>, %arg3: memref<10240x128xf32, #tpu.memory_space<hbm>>, %arg4: memref<128x128xf32, #tpu.memory_space<hbm>>, %arg5: memref<2x10240x128xf32, #tpu.memory_space<hbm>>, %arg6: memref<80x128xi32, #tpu.memory_space<vmem>>, %arg7: memref<128x128xf32, #tpu.memory_space<vmem>>, %arg8: memref<10240x128xf32, #tpu.memory_space<vmem_shared>>) attributes {dimension_semantics = [#tpu.dimension_semantics<core_parallel>, #tpu.dimension_semantics<subcore_parallel>], iteration_bounds = array<i64: 2, 16>, scalar_prefetch = 0 : i64, scratch_operands = 3 : i64, tpu.core_type = #tpu.core_type<sc_vector_subcore>, window_params = [{transform_indices = #map}, {transform_indices = #map1}, {transform_indices = #map1}, {transform_indices = #map}]} {
    %mul3A = arith.constant 16 : i32
    %mul3A_0 = arith.muli %arg0, %mul3A : i32
    %add3A = arith.addi %mul3A_0, %arg1 : i32
    %mul3A_1 = arith.constant 640 : i32
    %mul3A_2 = arith.muli %arg1, %mul3A_1 : i32
    %mul3A_3 = arith.constant 640 : i32
    %mul3A_4 = arith.muli %arg1, %mul3A_3 : i32
    "tpu.region"() ({
      %run_scoped3A = tpu.sem_alloc : memref<!tpu.dma_semaphore, #tpu.memory_space<semaphore_mem>>
      %dma_start3A = arith.constant 0 : i32
      %dma_start3A_16 = tpu.memref_slice %arg8[%mul3A_4, %dma_start3A] : memref<10240x128xf32, #tpu.memory_space<vmem_shared>> -> memref<640x128xf32, #tpu.memory_space<vmem_shared>>
      %dma_start3A_17 = arith.constant 0 : i32
      %dma_start3A_18 = tpu.memref_slice %arg3[%mul3A_2, %dma_start3A_17] : memref<10240x128xf32, #tpu.memory_space<hbm>> -> memref<640x128xf32, #tpu.memory_space<hbm>>
      tpu.enqueue_dma source(%dma_start3A_18 : memref<640x128xf32, #tpu.memory_space<hbm>>) target(%dma_start3A_16 : memref<640x128xf32, #tpu.memory_space<vmem_shared>>) target_semaphore(%run_scoped3A : memref<!tpu.dma_semaphore, #tpu.memory_space<semaphore_mem>>)
      %dma_wait3A = arith.constant 0 : i32
      %dma_wait3A_19 = tpu.memref_slice %arg8[%mul3A_4, %dma_wait3A] : memref<10240x128xf32, #tpu.memory_space<vmem_shared>> -> memref<640x128xf32, #tpu.memory_space<vmem_shared>>
      %dma_wait3A_20 = arith.constant 0 : i32
      %dma_wait3A_21 = tpu.memref_slice %arg3[%mul3A_2, %dma_wait3A_20] : memref<10240x128xf32, #tpu.memory_space<hbm>> -> memref<640x128xf32, #tpu.memory_space<hbm>>
      tpu.wait_dma2 semaphore(%run_scoped3A : memref<!tpu.dma_semaphore, #tpu.memory_space<semaphore_mem>>) src(%dma_wait3A_21 : memref<640x128xf32, #tpu.memory_space<hbm>>) dst(%dma_wait3A_19 : memref<640x128xf32, #tpu.memory_space<vmem_shared>>)
      tpu.yield
    }) : () -> ()
    "tpu.region"() ({
      %run_scoped3A = tpu.sem_alloc : memref<!tpu.dma_semaphore, #tpu.memory_space<semaphore_mem>>
      tpu.enqueue_dma source(%arg4 : memref<128x128xf32, #tpu.memory_space<hbm>>) target(%arg7 : memref<128x128xf32, #tpu.memory_space<vmem>>) target_semaphore(%run_scoped3A : memref<!tpu.dma_semaphore, #tpu.memory_space<semaphore_mem>>)
      tpu.wait_dma2 semaphore(%run_scoped3A : memref<!tpu.dma_semaphore, #tpu.memory_space<semaphore_mem>>) src(%arg4 : memref<128x128xf32, #tpu.memory_space<hbm>>) dst(%arg7 : memref<128x128xf32, #tpu.memory_space<vmem>>)
      tpu.yield
    }) : () -> ()
    %mul3A_5 = arith.constant 80 : i32
    %mul3A_6 = arith.muli %arg1, %mul3A_5 : i32
    "tpu.region"() ({
      %run_scoped3A = tpu.sem_alloc : memref<!tpu.dma_semaphore, #tpu.memory_space<semaphore_mem>>
      %dma_start3A = arith.constant 0 : i32
      %dma_start3A_16 = tpu.memref_slice %arg2[%arg0, %mul3A_6, %dma_start3A] : memref<2x1280x128xi32, #tpu.memory_space<hbm>> -> memref<1x80x128xi32, #tpu.memory_space<hbm>>
      %dma_start3A_17 = tpu.memref_squeeze %dma_start3A_16 : memref<1x80x128xi32, #tpu.memory_space<hbm>> -> memref<80x128xi32, #tpu.memory_space<hbm>>
      %dma_start3A_18 = arith.constant 0 : i32
      %dma_start3A_19 = tpu.memref_slice %arg2[%arg0, %mul3A_6, %dma_start3A_18] : memref<2x1280x128xi32, #tpu.memory_space<hbm>> -> memref<1x80x128xi32, #tpu.memory_space<hbm>>
      %dma_start3A_20 = tpu.memref_squeeze %dma_start3A_19 : memref<1x80x128xi32, #tpu.memory_space<hbm>> -> memref<80x128xi32, #tpu.memory_space<hbm>>
      tpu.enqueue_dma source(%dma_start3A_20 : memref<80x128xi32, #tpu.memory_space<hbm>>) target(%arg6 : memref<80x128xi32, #tpu.memory_space<vmem>>) target_semaphore(%run_scoped3A : memref<!tpu.dma_semaphore, #tpu.memory_space<semaphore_mem>>)
      %dma_wait3A = arith.constant 0 : i32
      %dma_wait3A_21 = tpu.memref_slice %arg2[%arg0, %mul3A_6, %dma_wait3A] : memref<2x1280x128xi32, #tpu.memory_space<hbm>> -> memref<1x80x128xi32, #tpu.memory_space<hbm>>
      %dma_wait3A_22 = tpu.memref_squeeze %dma_wait3A_21 : memref<1x80x128xi32, #tpu.memory_space<hbm>> -> memref<80x128xi32, #tpu.memory_space<hbm>>
      %dma_wait3A_23 = arith.constant 0 : i32
      %dma_wait3A_24 = tpu.memref_slice %arg2[%arg0, %mul3A_6, %dma_wait3A_23] : memref<2x1280x128xi32, #tpu.memory_space<hbm>> -> memref<1x80x128xi32, #tpu.memory_space<hbm>>
      %dma_wait3A_25 = tpu.memref_squeeze %dma_wait3A_24 : memref<1x80x128xi32, #tpu.memory_space<hbm>> -> memref<80x128xi32, #tpu.memory_space<hbm>>
      tpu.wait_dma2 semaphore(%run_scoped3A : memref<!tpu.dma_semaphore, #tpu.memory_space<semaphore_mem>>) src(%dma_wait3A_25 : memref<80x128xi32, #tpu.memory_space<hbm>>) dst(%arg6 : memref<80x128xi32, #tpu.memory_space<vmem>>)
      tpu.yield
    }) : () -> ()
    %barrier3A = arith.constant 0 : index
    tpu.barrier barrier_id(%barrier3A)
    %scan3A = arith.constant 0 : i32
    %scan3A_7 = arith.constant 80 : i32
    %scan3A_8 = arith.addi %scan3A, %scan3A_7 : i32
    %scan3A_9 = arith.constant 1 : i32
    scf.for %scan3A_16 = %scan3A to %scan3A_8 step %scan3A_9  : i32 {
      "tpu.region"() ({
        %run_scoped3A = tpu.sem_alloc : memref<!tpu.dma_semaphore, #tpu.memory_space<semaphore_mem>>
        %dma_start3A = arith.constant 0 : i32
        %dma_start3A_17 = tpu.memref_slice %arg6[%scan3A_16, %dma_start3A] : memref<80x128xi32, #tpu.memory_space<vmem>> -> memref<1x128xi32, #tpu.memory_space<vmem>>
        %dma_start3A_18 = tpu.memref_squeeze %dma_start3A_17 : memref<1x128xi32, #tpu.memory_space<vmem>> -> memref<128xi32, #tpu.memory_space<vmem>>
        %dma_start3A_19 = arith.constant 0 : i32
        %dma_start3A_20 = arith.constant 0 : i32
        %dma_start3A_21 = tpu.memref_slice %arg8[%dma_start3A_19, %dma_start3A_20] : memref<10240x128xf32, #tpu.memory_space<vmem_shared>> -> memref<10240x128xf32, #tpu.memory_space<vmem_shared>>
        tpu.enqueue_indirect_dma source(%arg7 : memref<128x128xf32, #tpu.memory_space<vmem>>) target(%dma_start3A_21 : memref<10240x128xf32, #tpu.memory_space<vmem_shared>>) offsets(%dma_start3A_18 : memref<128xi32, #tpu.memory_space<vmem>>) semaphore(%run_scoped3A : memref<!tpu.dma_semaphore, #tpu.memory_space<semaphore_mem>>) {add = true}
        %dma_wait3A = arith.constant 0 : i32
        %dma_wait3A_22 = tpu.memref_slice %arg6[%scan3A_16, %dma_wait3A] : memref<80x128xi32, #tpu.memory_space<vmem>> -> memref<1x128xi32, #tpu.memory_space<vmem>>
        %dma_wait3A_23 = tpu.memref_squeeze %dma_wait3A_22 : memref<1x128xi32, #tpu.memory_space<vmem>> -> memref<128xi32, #tpu.memory_space<vmem>>
        %dma_wait3A_24 = arith.constant 0 : i32
        %dma_wait3A_25 = arith.constant 0 : i32
        %dma_wait3A_26 = tpu.memref_slice %arg8[%dma_wait3A_24, %dma_wait3A_25] : memref<10240x128xf32, #tpu.memory_space<vmem_shared>> -> memref<10240x128xf32, #tpu.memory_space<vmem_shared>>
        tpu.wait_indirect_dma semaphore(%run_scoped3A : memref<!tpu.dma_semaphore, #tpu.memory_space<semaphore_mem>>) src(%arg7 : memref<128x128xf32, #tpu.memory_space<vmem>>) dst(%dma_wait3A_26 : memref<10240x128xf32, #tpu.memory_space<vmem_shared>>)
        tpu.yield
      }) : () -> ()
    }
    %scan3A_10 = arith.constant 80 : i32
    %barrier3A_11 = arith.constant 0 : index
    tpu.barrier barrier_id(%barrier3A_11)
    %mul3A_12 = arith.constant 640 : i32
    %mul3A_13 = arith.muli %arg1, %mul3A_12 : i32
    %mul3A_14 = arith.constant 640 : i32
    %mul3A_15 = arith.muli %arg1, %mul3A_14 : i32
    "tpu.region"() ({
      %run_scoped3A = tpu.sem_alloc : memref<!tpu.dma_semaphore, #tpu.memory_space<semaphore_mem>>
      %dma_start3A = arith.constant 0 : i32
      %dma_start3A_16 = tpu.memref_slice %arg5[%arg0, %mul3A_15, %dma_start3A] : memref<2x10240x128xf32, #tpu.memory_space<hbm>> -> memref<1x640x128xf32, #tpu.memory_space<hbm>>
      %dma_start3A_17 = tpu.memref_squeeze %dma_start3A_16 : memref<1x640x128xf32, #tpu.memory_space<hbm>> -> memref<640x128xf32, #tpu.memory_space<hbm>>
      %dma_start3A_18 = arith.constant 0 : i32
      %dma_start3A_19 = tpu.memref_slice %arg8[%mul3A_13, %dma_start3A_18] : memref<10240x128xf32, #tpu.memory_space<vmem_shared>> -> memref<640x128xf32, #tpu.memory_space<vmem_shared>>
      tpu.enqueue_dma source(%dma_start3A_19 : memref<640x128xf32, #tpu.memory_space<vmem_shared>>) target(%dma_start3A_17 : memref<640x128xf32, #tpu.memory_space<hbm>>) target_semaphore(%run_scoped3A : memref<!tpu.dma_semaphore, #tpu.memory_space<semaphore_mem>>)
      %dma_wait3A = arith.constant 0 : i32
      %dma_wait3A_20 = tpu.memref_slice %arg5[%arg0, %mul3A_15, %dma_wait3A] : memref<2x10240x128xf32, #tpu.memory_space<hbm>> -> memref<1x640x128xf32, #tpu.memory_space<hbm>>
      %dma_wait3A_21 = tpu.memref_squeeze %dma_wait3A_20 : memref<1x640x128xf32, #tpu.memory_space<hbm>> -> memref<640x128xf32, #tpu.memory_space<hbm>>
      %dma_wait3A_22 = arith.constant 0 : i32
      %dma_wait3A_23 = tpu.memref_slice %arg8[%mul3A_13, %dma_wait3A_22] : memref<10240x128xf32, #tpu.memory_space<vmem_shared>> -> memref<640x128xf32, #tpu.memory_space<vmem_shared>>
      tpu.wait_dma2 semaphore(%run_scoped3A : memref<!tpu.dma_semaphore, #tpu.memory_space<semaphore_mem>>) src(%dma_wait3A_23 : memref<640x128xf32, #tpu.memory_space<vmem_shared>>) dst(%dma_wait3A_21 : memref<640x128xf32, #tpu.memory_space<hbm>>)
      tpu.yield
    }) : () -> ()
    return
  }
}

#map = affine_map<(d0, d1) -> (0, 0)>
#map1 = affine_map<(d0, d1) -> (0, 0, 0)>
module attributes {stable_mosaic.version = 14 : i64} {
  func.func @_spmm_body(%arg0: i32, %arg1: i32, %arg2: memref<20480x128xf32, #tpu.memory_space<hbm>>, %arg3: memref<2x2560x128xi32, #tpu.memory_space<hbm>>, %arg4: memref<2560x128xi32, #tpu.memory_space<hbm>>, %arg5: memref<10240x128xf32, #tpu.memory_space<hbm>>, %arg6: memref<2x10240x128xf32, #tpu.memory_space<hbm>>, %arg7: memref<40x128xi32, #tpu.memory_space<vmem>>, %arg8: memref<40x128xi32, #tpu.memory_space<vmem>>, %arg9: memref<128x128xf32, #tpu.memory_space<vmem>>, %arg10: memref<128x128xf32, #tpu.memory_space<vmem>>, %arg11: memref<10240x128xf32, #tpu.memory_space<vmem_shared>>, %arg12: memref<!tpu.dma_semaphore, #tpu.memory_space<semaphore_mem>>, %arg13: memref<!tpu.dma_semaphore, #tpu.memory_space<semaphore_mem>>) attributes {dimension_semantics = [#tpu.dimension_semantics<core_parallel>, #tpu.dimension_semantics<subcore_parallel>], iteration_bounds = array<i64: 2, 16>, scalar_prefetch = 0 : i64, scratch_operands = 7 : i64, tpu.core_type = #tpu.core_type<sc_vector_subcore>, window_params = [{transform_indices = #map}, {transform_indices = #map1}, {transform_indices = #map}, {transform_indices = #map}, {transform_indices = #map1}]} {
    %mul3A = arith.constant 640 : i32
    %mul3A_0 = arith.muli %arg1, %mul3A : i32
    %mul3A_1 = arith.constant 640 : i32
    %mul3A_2 = arith.muli %arg1, %mul3A_1 : i32
    "tpu.region"() ({
      %run_scoped3A = tpu.sem_alloc : memref<!tpu.dma_semaphore, #tpu.memory_space<semaphore_mem>>
      %dma_start3A = arith.constant 0 : i32
      %dma_start3A_14 = tpu.memref_slice %arg11[%mul3A_2, %dma_start3A] : memref<10240x128xf32, #tpu.memory_space<vmem_shared>> -> memref<640x128xf32, #tpu.memory_space<vmem_shared>>
      %dma_start3A_15 = arith.constant 0 : i32
      %dma_start3A_16 = tpu.memref_slice %arg5[%mul3A_0, %dma_start3A_15] : memref<10240x128xf32, #tpu.memory_space<hbm>> -> memref<640x128xf32, #tpu.memory_space<hbm>>
      tpu.enqueue_dma source(%dma_start3A_16 : memref<640x128xf32, #tpu.memory_space<hbm>>) target(%dma_start3A_14 : memref<640x128xf32, #tpu.memory_space<vmem_shared>>) target_semaphore(%run_scoped3A : memref<!tpu.dma_semaphore, #tpu.memory_space<semaphore_mem>>)
      %dma_wait3A = arith.constant 0 : i32
      %dma_wait3A_17 = tpu.memref_slice %arg11[%mul3A_2, %dma_wait3A] : memref<10240x128xf32, #tpu.memory_space<vmem_shared>> -> memref<640x128xf32, #tpu.memory_space<vmem_shared>>
      %dma_wait3A_18 = arith.constant 0 : i32
      %dma_wait3A_19 = tpu.memref_slice %arg5[%mul3A_0, %dma_wait3A_18] : memref<10240x128xf32, #tpu.memory_space<hbm>> -> memref<640x128xf32, #tpu.memory_space<hbm>>
      tpu.wait_dma2 semaphore(%run_scoped3A : memref<!tpu.dma_semaphore, #tpu.memory_space<semaphore_mem>>) src(%dma_wait3A_19 : memref<640x128xf32, #tpu.memory_space<hbm>>) dst(%dma_wait3A_17 : memref<640x128xf32, #tpu.memory_space<vmem_shared>>)
      tpu.yield
    }) : () -> ()
    %barrier3A = arith.constant 0 : index
    tpu.barrier barrier_id(%barrier3A)
    %mul3A_3 = arith.constant 80 : i32
    %mul3A_4 = arith.muli %arg1, %mul3A_3 : i32
    %scan3A = arith.constant 0 : i32
    %scan3A_5 = arith.constant 4 : i32
    %scan3A_6 = arith.addi %scan3A, %scan3A_5 : i32
    %scan3A_7 = arith.constant 1 : i32
    scf.for %scan3A_14 = %scan3A to %scan3A_6 step %scan3A_7  : i32 {
      %mul3A_15 = arith.constant 20 : i32
      %mul3A_16 = arith.muli %scan3A_14, %mul3A_15 : i32
      %add3A = arith.addi %mul3A_4, %mul3A_16 : i32
      %mul3A_17 = arith.constant 2 : i32
      %mul3A_18 = arith.muli %add3A, %mul3A_17 : i32
      "tpu.region"() ({
        %run_scoped3A = tpu.sem_alloc : memref<!tpu.dma_semaphore, #tpu.memory_space<semaphore_mem>>
        %dma_start3A_37 = arith.constant 0 : i32
        %dma_start3A_38 = tpu.memref_slice %arg3[%arg0, %mul3A_18, %dma_start3A_37] : memref<2x2560x128xi32, #tpu.memory_space<hbm>> -> memref<1x40x128xi32, #tpu.memory_space<hbm>>
        %dma_start3A_39 = tpu.memref_squeeze %dma_start3A_38 : memref<1x40x128xi32, #tpu.memory_space<hbm>> -> memref<40x128xi32, #tpu.memory_space<hbm>>
        %dma_start3A_40 = arith.constant 0 : i32
        %dma_start3A_41 = tpu.memref_slice %arg3[%arg0, %mul3A_18, %dma_start3A_40] : memref<2x2560x128xi32, #tpu.memory_space<hbm>> -> memref<1x40x128xi32, #tpu.memory_space<hbm>>
        %dma_start3A_42 = tpu.memref_squeeze %dma_start3A_41 : memref<1x40x128xi32, #tpu.memory_space<hbm>> -> memref<40x128xi32, #tpu.memory_space<hbm>>
        tpu.enqueue_dma source(%dma_start3A_42 : memref<40x128xi32, #tpu.memory_space<hbm>>) target(%arg7 : memref<40x128xi32, #tpu.memory_space<vmem>>) target_semaphore(%run_scoped3A : memref<!tpu.dma_semaphore, #tpu.memory_space<semaphore_mem>>)
        %dma_wait3A = arith.constant 0 : i32
        %dma_wait3A_43 = tpu.memref_slice %arg3[%arg0, %mul3A_18, %dma_wait3A] : memref<2x2560x128xi32, #tpu.memory_space<hbm>> -> memref<1x40x128xi32, #tpu.memory_space<hbm>>
        %dma_wait3A_44 = tpu.memref_squeeze %dma_wait3A_43 : memref<1x40x128xi32, #tpu.memory_space<hbm>> -> memref<40x128xi32, #tpu.memory_space<hbm>>
        %dma_wait3A_45 = arith.constant 0 : i32
        %dma_wait3A_46 = tpu.memref_slice %arg3[%arg0, %mul3A_18, %dma_wait3A_45] : memref<2x2560x128xi32, #tpu.memory_space<hbm>> -> memref<1x40x128xi32, #tpu.memory_space<hbm>>
        %dma_wait3A_47 = tpu.memref_squeeze %dma_wait3A_46 : memref<1x40x128xi32, #tpu.memory_space<hbm>> -> memref<40x128xi32, #tpu.memory_space<hbm>>
        tpu.wait_dma2 semaphore(%run_scoped3A : memref<!tpu.dma_semaphore, #tpu.memory_space<semaphore_mem>>) src(%dma_wait3A_47 : memref<40x128xi32, #tpu.memory_space<hbm>>) dst(%arg7 : memref<40x128xi32, #tpu.memory_space<vmem>>)
        tpu.yield
      }) : () -> ()
      "tpu.region"() ({
        %run_scoped3A = tpu.sem_alloc : memref<!tpu.dma_semaphore, #tpu.memory_space<semaphore_mem>>
        %dma_start3A_37 = arith.constant 0 : i32
        %dma_start3A_38 = tpu.memref_slice %arg4[%mul3A_18, %dma_start3A_37] : memref<2560x128xi32, #tpu.memory_space<hbm>> -> memref<40x128xi32, #tpu.memory_space<hbm>>
        %dma_start3A_39 = arith.constant 0 : i32
        %dma_start3A_40 = tpu.memref_slice %arg4[%mul3A_18, %dma_start3A_39] : memref<2560x128xi32, #tpu.memory_space<hbm>> -> memref<40x128xi32, #tpu.memory_space<hbm>>
        tpu.enqueue_dma source(%dma_start3A_40 : memref<40x128xi32, #tpu.memory_space<hbm>>) target(%arg8 : memref<40x128xi32, #tpu.memory_space<vmem>>) target_semaphore(%run_scoped3A : memref<!tpu.dma_semaphore, #tpu.memory_space<semaphore_mem>>)
        %dma_wait3A = arith.constant 0 : i32
        %dma_wait3A_41 = tpu.memref_slice %arg4[%mul3A_18, %dma_wait3A] : memref<2560x128xi32, #tpu.memory_space<hbm>> -> memref<40x128xi32, #tpu.memory_space<hbm>>
        %dma_wait3A_42 = arith.constant 0 : i32
        %dma_wait3A_43 = tpu.memref_slice %arg4[%mul3A_18, %dma_wait3A_42] : memref<2560x128xi32, #tpu.memory_space<hbm>> -> memref<40x128xi32, #tpu.memory_space<hbm>>
        tpu.wait_dma2 semaphore(%run_scoped3A : memref<!tpu.dma_semaphore, #tpu.memory_space<semaphore_mem>>) src(%dma_wait3A_43 : memref<40x128xi32, #tpu.memory_space<hbm>>) dst(%arg8 : memref<40x128xi32, #tpu.memory_space<vmem>>)
        tpu.yield
      }) : () -> ()
      %dma_start3A = arith.constant 0 : i32
      %dma_start3A_19 = arith.constant 0 : i32
      %dma_start3A_20 = tpu.memref_slice %arg7[%dma_start3A, %dma_start3A_19] : memref<40x128xi32, #tpu.memory_space<vmem>> -> memref<1x128xi32, #tpu.memory_space<vmem>>
      %dma_start3A_21 = tpu.memref_squeeze %dma_start3A_20 : memref<1x128xi32, #tpu.memory_space<vmem>> -> memref<128xi32, #tpu.memory_space<vmem>>
      %dma_start3A_22 = arith.constant 0 : i32
      %dma_start3A_23 = arith.constant 0 : i32
      %dma_start3A_24 = tpu.memref_slice %arg2[%dma_start3A_22, %dma_start3A_23] : memref<20480x128xf32, #tpu.memory_space<hbm>> -> memref<20480x128xf32, #tpu.memory_space<hbm>>
      tpu.enqueue_indirect_dma source(%dma_start3A_24 : memref<20480x128xf32, #tpu.memory_space<hbm>>) target(%arg9 : memref<128x128xf32, #tpu.memory_space<vmem>>) offsets(%dma_start3A_21 : memref<128xi32, #tpu.memory_space<vmem>>) semaphore(%arg12 : memref<!tpu.dma_semaphore, #tpu.memory_space<semaphore_mem>>)
      %dma_start3A_25 = arith.constant 1 : i32
      %dma_start3A_26 = arith.constant 0 : i32
      %dma_start3A_27 = tpu.memref_slice %arg7[%dma_start3A_25, %dma_start3A_26] : memref<40x128xi32, #tpu.memory_space<vmem>> -> memref<1x128xi32, #tpu.memory_space<vmem>>
      %dma_start3A_28 = tpu.memref_squeeze %dma_start3A_27 : memref<1x128xi32, #tpu.memory_space<vmem>> -> memref<128xi32, #tpu.memory_space<vmem>>
      %dma_start3A_29 = arith.constant 0 : i32
      %dma_start3A_30 = arith.constant 0 : i32
      %dma_start3A_31 = tpu.memref_slice %arg2[%dma_start3A_29, %dma_start3A_30] : memref<20480x128xf32, #tpu.memory_space<hbm>> -> memref<20480x128xf32, #tpu.memory_space<hbm>>
      tpu.enqueue_indirect_dma source(%dma_start3A_31 : memref<20480x128xf32, #tpu.memory_space<hbm>>) target(%arg10 : memref<128x128xf32, #tpu.memory_space<vmem>>) offsets(%dma_start3A_28 : memref<128xi32, #tpu.memory_space<vmem>>) semaphore(%arg13 : memref<!tpu.dma_semaphore, #tpu.memory_space<semaphore_mem>>)
      %scan3A_32 = arith.constant 0 : i32
      %scan3A_33 = arith.constant 20 : i32
      %scan3A_34 = arith.addi %scan3A_32, %scan3A_33 : i32
      %scan3A_35 = arith.constant 1 : i32
      scf.for %scan3A_37 = %scan3A_32 to %scan3A_34 step %scan3A_35  : i32 {
        %mul3A_38 = arith.constant 2 : i32
        %mul3A_39 = arith.muli %mul3A_38, %scan3A_37 : i32
        %dma_wait3A = arith.constant 0 : i32
        %dma_wait3A_40 = tpu.memref_slice %arg7[%mul3A_39, %dma_wait3A] : memref<40x128xi32, #tpu.memory_space<vmem>> -> memref<1x128xi32, #tpu.memory_space<vmem>>
        %dma_wait3A_41 = tpu.memref_squeeze %dma_wait3A_40 : memref<1x128xi32, #tpu.memory_space<vmem>> -> memref<128xi32, #tpu.memory_space<vmem>>
        %dma_wait3A_42 = arith.constant 0 : i32
        %dma_wait3A_43 = arith.constant 0 : i32
        %dma_wait3A_44 = tpu.memref_slice %arg2[%dma_wait3A_42, %dma_wait3A_43] : memref<20480x128xf32, #tpu.memory_space<hbm>> -> memref<20480x128xf32, #tpu.memory_space<hbm>>
        tpu.wait_indirect_dma semaphore(%arg12 : memref<!tpu.dma_semaphore, #tpu.memory_space<semaphore_mem>>) src(%dma_wait3A_44 : memref<20480x128xf32, #tpu.memory_space<hbm>>) dst(%arg9 : memref<128x128xf32, #tpu.memory_space<vmem>>)
        "tpu.region"() ({
          %run_scoped3A = tpu.sem_alloc : memref<!tpu.dma_semaphore, #tpu.memory_space<semaphore_mem>>
          %dma_start3A_66 = arith.constant 0 : i32
          %dma_start3A_67 = tpu.memref_slice %arg8[%mul3A_39, %dma_start3A_66] : memref<40x128xi32, #tpu.memory_space<vmem>> -> memref<1x128xi32, #tpu.memory_space<vmem>>
          %dma_start3A_68 = tpu.memref_squeeze %dma_start3A_67 : memref<1x128xi32, #tpu.memory_space<vmem>> -> memref<128xi32, #tpu.memory_space<vmem>>
          %dma_start3A_69 = arith.constant 0 : i32
          %dma_start3A_70 = arith.constant 0 : i32
          %dma_start3A_71 = tpu.memref_slice %arg11[%dma_start3A_69, %dma_start3A_70] : memref<10240x128xf32, #tpu.memory_space<vmem_shared>> -> memref<10240x128xf32, #tpu.memory_space<vmem_shared>>
          tpu.enqueue_indirect_dma source(%arg9 : memref<128x128xf32, #tpu.memory_space<vmem>>) target(%dma_start3A_71 : memref<10240x128xf32, #tpu.memory_space<vmem_shared>>) offsets(%dma_start3A_68 : memref<128xi32, #tpu.memory_space<vmem>>) semaphore(%run_scoped3A : memref<!tpu.dma_semaphore, #tpu.memory_space<semaphore_mem>>) {add = true}
          %dma_wait3A_72 = arith.constant 0 : i32
          %dma_wait3A_73 = tpu.memref_slice %arg8[%mul3A_39, %dma_wait3A_72] : memref<40x128xi32, #tpu.memory_space<vmem>> -> memref<1x128xi32, #tpu.memory_space<vmem>>
          %dma_wait3A_74 = tpu.memref_squeeze %dma_wait3A_73 : memref<1x128xi32, #tpu.memory_space<vmem>> -> memref<128xi32, #tpu.memory_space<vmem>>
          %dma_wait3A_75 = arith.constant 0 : i32
          %dma_wait3A_76 = arith.constant 0 : i32
          %dma_wait3A_77 = tpu.memref_slice %arg11[%dma_wait3A_75, %dma_wait3A_76] : memref<10240x128xf32, #tpu.memory_space<vmem_shared>> -> memref<10240x128xf32, #tpu.memory_space<vmem_shared>>
          tpu.wait_indirect_dma semaphore(%run_scoped3A : memref<!tpu.dma_semaphore, #tpu.memory_space<semaphore_mem>>) src(%arg9 : memref<128x128xf32, #tpu.memory_space<vmem>>) dst(%dma_wait3A_77 : memref<10240x128xf32, #tpu.memory_space<vmem_shared>>)
          tpu.yield
        }) : () -> ()
        %add3A_45 = arith.constant 2 : i32
        %add3A_46 = arith.addi %mul3A_39, %add3A_45 : i32
        %lt3A = arith.constant 40 : i32
        %lt3A_47 = arith.cmpi slt, %add3A_46, %lt3A : i32
        %convert_element_type3A = arith.extui %lt3A_47 : i1 to i32
        %cond3A = arith.constant 0 : i32
        %cond3A_48 = arith.cmpi ne, %convert_element_type3A, %cond3A : i32
        scf.if %cond3A_48 {
          %add3A_66 = arith.constant 2 : i32
          %add3A_67 = arith.addi %mul3A_39, %add3A_66 : i32
          %dma_start3A_68 = arith.constant 0 : i32
          %dma_start3A_69 = tpu.memref_slice %arg7[%add3A_67, %dma_start3A_68] : memref<40x128xi32, #tpu.memory_space<vmem>> -> memref<1x128xi32, #tpu.memory_space<vmem>>
          %dma_start3A_70 = tpu.memref_squeeze %dma_start3A_69 : memref<1x128xi32, #tpu.memory_space<vmem>> -> memref<128xi32, #tpu.memory_space<vmem>>
          %dma_start3A_71 = arith.constant 0 : i32
          %dma_start3A_72 = arith.constant 0 : i32
          %dma_start3A_73 = tpu.memref_slice %arg2[%dma_start3A_71, %dma_start3A_72] : memref<20480x128xf32, #tpu.memory_space<hbm>> -> memref<20480x128xf32, #tpu.memory_space<hbm>>
          tpu.enqueue_indirect_dma source(%dma_start3A_73 : memref<20480x128xf32, #tpu.memory_space<hbm>>) target(%arg9 : memref<128x128xf32, #tpu.memory_space<vmem>>) offsets(%dma_start3A_70 : memref<128xi32, #tpu.memory_space<vmem>>) semaphore(%arg12 : memref<!tpu.dma_semaphore, #tpu.memory_space<semaphore_mem>>)
        } else {
        }
        %add3A_49 = arith.constant 1 : i32
        %add3A_50 = arith.addi %mul3A_39, %add3A_49 : i32
        %dma_wait3A_51 = arith.constant 0 : i32
        %dma_wait3A_52 = tpu.memref_slice %arg7[%add3A_50, %dma_wait3A_51] : memref<40x128xi32, #tpu.memory_space<vmem>> -> memref<1x128xi32, #tpu.memory_space<vmem>>
        %dma_wait3A_53 = tpu.memref_squeeze %dma_wait3A_52 : memref<1x128xi32, #tpu.memory_space<vmem>> -> memref<128xi32, #tpu.memory_space<vmem>>
        %dma_wait3A_54 = arith.constant 0 : i32
        %dma_wait3A_55 = arith.constant 0 : i32
        %dma_wait3A_56 = tpu.memref_slice %arg2[%dma_wait3A_54, %dma_wait3A_55] : memref<20480x128xf32, #tpu.memory_space<hbm>> -> memref<20480x128xf32, #tpu.memory_space<hbm>>
        tpu.wait_indirect_dma semaphore(%arg13 : memref<!tpu.dma_semaphore, #tpu.memory_space<semaphore_mem>>) src(%dma_wait3A_56 : memref<20480x128xf32, #tpu.memory_space<hbm>>) dst(%arg10 : memref<128x128xf32, #tpu.memory_space<vmem>>)
        %add3A_57 = arith.constant 1 : i32
        %add3A_58 = arith.addi %mul3A_39, %add3A_57 : i32
        "tpu.region"() ({
          %run_scoped3A = tpu.sem_alloc : memref<!tpu.dma_semaphore, #tpu.memory_space<semaphore_mem>>
          %dma_start3A_66 = arith.constant 0 : i32
          %dma_start3A_67 = tpu.memref_slice %arg8[%add3A_58, %dma_start3A_66] : memref<40x128xi32, #tpu.memory_space<vmem>> -> memref<1x128xi32, #tpu.memory_space<vmem>>
          %dma_start3A_68 = tpu.memref_squeeze %dma_start3A_67 : memref<1x128xi32, #tpu.memory_space<vmem>> -> memref<128xi32, #tpu.memory_space<vmem>>
          %dma_start3A_69 = arith.constant 0 : i32
          %dma_start3A_70 = arith.constant 0 : i32
          %dma_start3A_71 = tpu.memref_slice %arg11[%dma_start3A_69, %dma_start3A_70] : memref<10240x128xf32, #tpu.memory_space<vmem_shared>> -> memref<10240x128xf32, #tpu.memory_space<vmem_shared>>
          tpu.enqueue_indirect_dma source(%arg10 : memref<128x128xf32, #tpu.memory_space<vmem>>) target(%dma_start3A_71 : memref<10240x128xf32, #tpu.memory_space<vmem_shared>>) offsets(%dma_start3A_68 : memref<128xi32, #tpu.memory_space<vmem>>) semaphore(%run_scoped3A : memref<!tpu.dma_semaphore, #tpu.memory_space<semaphore_mem>>) {add = true}
          %dma_wait3A_72 = arith.constant 0 : i32
          %dma_wait3A_73 = tpu.memref_slice %arg8[%add3A_58, %dma_wait3A_72] : memref<40x128xi32, #tpu.memory_space<vmem>> -> memref<1x128xi32, #tpu.memory_space<vmem>>
          %dma_wait3A_74 = tpu.memref_squeeze %dma_wait3A_73 : memref<1x128xi32, #tpu.memory_space<vmem>> -> memref<128xi32, #tpu.memory_space<vmem>>
          %dma_wait3A_75 = arith.constant 0 : i32
          %dma_wait3A_76 = arith.constant 0 : i32
          %dma_wait3A_77 = tpu.memref_slice %arg11[%dma_wait3A_75, %dma_wait3A_76] : memref<10240x128xf32, #tpu.memory_space<vmem_shared>> -> memref<10240x128xf32, #tpu.memory_space<vmem_shared>>
          tpu.wait_indirect_dma semaphore(%run_scoped3A : memref<!tpu.dma_semaphore, #tpu.memory_space<semaphore_mem>>) src(%arg10 : memref<128x128xf32, #tpu.memory_space<vmem>>) dst(%dma_wait3A_77 : memref<10240x128xf32, #tpu.memory_space<vmem_shared>>)
          tpu.yield
        }) : () -> ()
        %add3A_59 = arith.constant 3 : i32
        %add3A_60 = arith.addi %mul3A_39, %add3A_59 : i32
        %lt3A_61 = arith.constant 40 : i32
        %lt3A_62 = arith.cmpi slt, %add3A_60, %lt3A_61 : i32
        %convert_element_type3A_63 = arith.extui %lt3A_62 : i1 to i32
        %cond3A_64 = arith.constant 0 : i32
        %cond3A_65 = arith.cmpi ne, %convert_element_type3A_63, %cond3A_64 : i32
        scf.if %cond3A_65 {
          %add3A_66 = arith.constant 3 : i32
          %add3A_67 = arith.addi %mul3A_39, %add3A_66 : i32
          %dma_start3A_68 = arith.constant 0 : i32
          %dma_start3A_69 = tpu.memref_slice %arg7[%add3A_67, %dma_start3A_68] : memref<40x128xi32, #tpu.memory_space<vmem>> -> memref<1x128xi32, #tpu.memory_space<vmem>>
          %dma_start3A_70 = tpu.memref_squeeze %dma_start3A_69 : memref<1x128xi32, #tpu.memory_space<vmem>> -> memref<128xi32, #tpu.memory_space<vmem>>
          %dma_start3A_71 = arith.constant 0 : i32
          %dma_start3A_72 = arith.constant 0 : i32
          %dma_start3A_73 = tpu.memref_slice %arg2[%dma_start3A_71, %dma_start3A_72] : memref<20480x128xf32, #tpu.memory_space<hbm>> -> memref<20480x128xf32, #tpu.memory_space<hbm>>
          tpu.enqueue_indirect_dma source(%dma_start3A_73 : memref<20480x128xf32, #tpu.memory_space<hbm>>) target(%arg10 : memref<128x128xf32, #tpu.memory_space<vmem>>) offsets(%dma_start3A_70 : memref<128xi32, #tpu.memory_space<vmem>>) semaphore(%arg13 : memref<!tpu.dma_semaphore, #tpu.memory_space<semaphore_mem>>)
        } else {
        }
      }
      %scan3A_36 = arith.constant 20 : i32
    }
    %scan3A_8 = arith.constant 4 : i32
    %barrier3A_9 = arith.constant 0 : index
    tpu.barrier barrier_id(%barrier3A_9)
    %mul3A_10 = arith.constant 640 : i32
    %mul3A_11 = arith.muli %arg1, %mul3A_10 : i32
    %mul3A_12 = arith.constant 640 : i32
    %mul3A_13 = arith.muli %arg1, %mul3A_12 : i32
    "tpu.region"() ({
      %run_scoped3A = tpu.sem_alloc : memref<!tpu.dma_semaphore, #tpu.memory_space<semaphore_mem>>
      %dma_start3A = arith.constant 0 : i32
      %dma_start3A_14 = tpu.memref_slice %arg6[%arg0, %mul3A_13, %dma_start3A] : memref<2x10240x128xf32, #tpu.memory_space<hbm>> -> memref<1x640x128xf32, #tpu.memory_space<hbm>>
      %dma_start3A_15 = tpu.memref_squeeze %dma_start3A_14 : memref<1x640x128xf32, #tpu.memory_space<hbm>> -> memref<640x128xf32, #tpu.memory_space<hbm>>
      %dma_start3A_16 = arith.constant 0 : i32
      %dma_start3A_17 = tpu.memref_slice %arg11[%mul3A_11, %dma_start3A_16] : memref<10240x128xf32, #tpu.memory_space<vmem_shared>> -> memref<640x128xf32, #tpu.memory_space<vmem_shared>>
      tpu.enqueue_dma source(%dma_start3A_17 : memref<640x128xf32, #tpu.memory_space<vmem_shared>>) target(%dma_start3A_15 : memref<640x128xf32, #tpu.memory_space<hbm>>) target_semaphore(%run_scoped3A : memref<!tpu.dma_semaphore, #tpu.memory_space<semaphore_mem>>)
      %dma_wait3A = arith.constant 0 : i32
      %dma_wait3A_18 = tpu.memref_slice %arg6[%arg0, %mul3A_13, %dma_wait3A] : memref<2x10240x128xf32, #tpu.memory_space<hbm>> -> memref<1x640x128xf32, #tpu.memory_space<hbm>>
      %dma_wait3A_19 = tpu.memref_squeeze %dma_wait3A_18 : memref<1x640x128xf32, #tpu.memory_space<hbm>> -> memref<640x128xf32, #tpu.memory_space<hbm>>
      %dma_wait3A_20 = arith.constant 0 : i32
      %dma_wait3A_21 = tpu.memref_slice %arg11[%mul3A_11, %dma_wait3A_20] : memref<10240x128xf32, #tpu.memory_space<vmem_shared>> -> memref<640x128xf32, #tpu.memory_space<vmem_shared>>
      tpu.wait_dma2 semaphore(%run_scoped3A : memref<!tpu.dma_semaphore, #tpu.memory_space<semaphore_mem>>) src(%dma_wait3A_21 : memref<640x128xf32, #tpu.memory_space<vmem_shared>>) dst(%dma_wait3A_19 : memref<640x128xf32, #tpu.memory_space<hbm>>)
      tpu.yield
    }) : () -> ()
    return
  }
}

#map = affine_map<(d0, d1) -> (0, 0)>
#map1 = affine_map<(d0, d1) -> (0, 0, 0)>
module attributes {stable_mosaic.version = 14 : i64} {
  func.func @_spmm_body(%arg0: i32, %arg1: i32, %arg2: memref<10240x128xf32, #tpu.memory_space<hbm>>, %arg3: memref<2x2560x128xi32, #tpu.memory_space<hbm>>, %arg4: memref<2560x128xi32, #tpu.memory_space<hbm>>, %arg5: memref<10240x128xf32, #tpu.memory_space<hbm>>, %arg6: memref<2x10240x128xf32, #tpu.memory_space<hbm>>, %arg7: memref<40x128xi32, #tpu.memory_space<vmem>>, %arg8: memref<40x128xi32, #tpu.memory_space<vmem>>, %arg9: memref<128x128xf32, #tpu.memory_space<vmem>>, %arg10: memref<128x128xf32, #tpu.memory_space<vmem>>, %arg11: memref<10240x128xf32, #tpu.memory_space<vmem_shared>>, %arg12: memref<!tpu.dma_semaphore, #tpu.memory_space<semaphore_mem>>, %arg13: memref<!tpu.dma_semaphore, #tpu.memory_space<semaphore_mem>>) attributes {dimension_semantics = [#tpu.dimension_semantics<core_parallel>, #tpu.dimension_semantics<subcore_parallel>], iteration_bounds = array<i64: 2, 16>, scalar_prefetch = 0 : i64, scratch_operands = 7 : i64, tpu.core_type = #tpu.core_type<sc_vector_subcore>, window_params = [{transform_indices = #map}, {transform_indices = #map1}, {transform_indices = #map}, {transform_indices = #map}, {transform_indices = #map1}]} {
    %mul3A = arith.constant 640 : i32
    %mul3A_0 = arith.muli %arg1, %mul3A : i32
    %mul3A_1 = arith.constant 640 : i32
    %mul3A_2 = arith.muli %arg1, %mul3A_1 : i32
    "tpu.region"() ({
      %run_scoped3A = tpu.sem_alloc : memref<!tpu.dma_semaphore, #tpu.memory_space<semaphore_mem>>
      %dma_start3A = arith.constant 0 : i32
      %dma_start3A_16 = tpu.memref_slice %arg11[%mul3A_2, %dma_start3A] : memref<10240x128xf32, #tpu.memory_space<vmem_shared>> -> memref<640x128xf32, #tpu.memory_space<vmem_shared>>
      %dma_start3A_17 = arith.constant 0 : i32
      %dma_start3A_18 = tpu.memref_slice %arg5[%mul3A_0, %dma_start3A_17] : memref<10240x128xf32, #tpu.memory_space<hbm>> -> memref<640x128xf32, #tpu.memory_space<hbm>>
      tpu.enqueue_dma source(%dma_start3A_18 : memref<640x128xf32, #tpu.memory_space<hbm>>) target(%dma_start3A_16 : memref<640x128xf32, #tpu.memory_space<vmem_shared>>) target_semaphore(%run_scoped3A : memref<!tpu.dma_semaphore, #tpu.memory_space<semaphore_mem>>)
      %dma_wait3A = arith.constant 0 : i32
      %dma_wait3A_19 = tpu.memref_slice %arg11[%mul3A_2, %dma_wait3A] : memref<10240x128xf32, #tpu.memory_space<vmem_shared>> -> memref<640x128xf32, #tpu.memory_space<vmem_shared>>
      %dma_wait3A_20 = arith.constant 0 : i32
      %dma_wait3A_21 = tpu.memref_slice %arg5[%mul3A_0, %dma_wait3A_20] : memref<10240x128xf32, #tpu.memory_space<hbm>> -> memref<640x128xf32, #tpu.memory_space<hbm>>
      tpu.wait_dma2 semaphore(%run_scoped3A : memref<!tpu.dma_semaphore, #tpu.memory_space<semaphore_mem>>) src(%dma_wait3A_21 : memref<640x128xf32, #tpu.memory_space<hbm>>) dst(%dma_wait3A_19 : memref<640x128xf32, #tpu.memory_space<vmem_shared>>)
      tpu.yield
    }) : () -> ()
    %barrier3A = arith.constant 0 : index
    tpu.barrier barrier_id(%barrier3A)
    %mul3A_3 = arith.constant 16 : i32
    %mul3A_4 = arith.muli %arg0, %mul3A_3 : i32
    %add3A = arith.addi %mul3A_4, %arg1 : i32
    %mul3A_5 = arith.constant 40 : i32
    %mul3A_6 = arith.muli %add3A, %mul3A_5 : i32
    %scan3A = arith.constant 0 : i32
    %scan3A_7 = arith.constant 2 : i32
    %scan3A_8 = arith.addi %scan3A, %scan3A_7 : i32
    %scan3A_9 = arith.constant 1 : i32
    scf.for %scan3A_16 = %scan3A to %scan3A_8 step %scan3A_9  : i32 {
      %mul3A_17 = arith.constant 20 : i32
      %mul3A_18 = arith.muli %scan3A_16, %mul3A_17 : i32
      %add3A_19 = arith.addi %mul3A_6, %mul3A_18 : i32
      %mul3A_20 = arith.constant 2 : i32
      %mul3A_21 = arith.muli %add3A_19, %mul3A_20 : i32
      "tpu.region"() ({
        %run_scoped3A = tpu.sem_alloc : memref<!tpu.dma_semaphore, #tpu.memory_space<semaphore_mem>>
        %dma_start3A_40 = arith.constant 0 : i32
        %dma_start3A_41 = tpu.memref_slice %arg3[%arg0, %mul3A_21, %dma_start3A_40] : memref<2x2560x128xi32, #tpu.memory_space<hbm>> -> memref<1x40x128xi32, #tpu.memory_space<hbm>>
        %dma_start3A_42 = tpu.memref_squeeze %dma_start3A_41 : memref<1x40x128xi32, #tpu.memory_space<hbm>> -> memref<40x128xi32, #tpu.memory_space<hbm>>
        %dma_start3A_43 = arith.constant 0 : i32
        %dma_start3A_44 = tpu.memref_slice %arg3[%arg0, %mul3A_21, %dma_start3A_43] : memref<2x2560x128xi32, #tpu.memory_space<hbm>> -> memref<1x40x128xi32, #tpu.memory_space<hbm>>
        %dma_start3A_45 = tpu.memref_squeeze %dma_start3A_44 : memref<1x40x128xi32, #tpu.memory_space<hbm>> -> memref<40x128xi32, #tpu.memory_space<hbm>>
        tpu.enqueue_dma source(%dma_start3A_45 : memref<40x128xi32, #tpu.memory_space<hbm>>) target(%arg7 : memref<40x128xi32, #tpu.memory_space<vmem>>) target_semaphore(%run_scoped3A : memref<!tpu.dma_semaphore, #tpu.memory_space<semaphore_mem>>)
        %dma_wait3A = arith.constant 0 : i32
        %dma_wait3A_46 = tpu.memref_slice %arg3[%arg0, %mul3A_21, %dma_wait3A] : memref<2x2560x128xi32, #tpu.memory_space<hbm>> -> memref<1x40x128xi32, #tpu.memory_space<hbm>>
        %dma_wait3A_47 = tpu.memref_squeeze %dma_wait3A_46 : memref<1x40x128xi32, #tpu.memory_space<hbm>> -> memref<40x128xi32, #tpu.memory_space<hbm>>
        %dma_wait3A_48 = arith.constant 0 : i32
        %dma_wait3A_49 = tpu.memref_slice %arg3[%arg0, %mul3A_21, %dma_wait3A_48] : memref<2x2560x128xi32, #tpu.memory_space<hbm>> -> memref<1x40x128xi32, #tpu.memory_space<hbm>>
        %dma_wait3A_50 = tpu.memref_squeeze %dma_wait3A_49 : memref<1x40x128xi32, #tpu.memory_space<hbm>> -> memref<40x128xi32, #tpu.memory_space<hbm>>
        tpu.wait_dma2 semaphore(%run_scoped3A : memref<!tpu.dma_semaphore, #tpu.memory_space<semaphore_mem>>) src(%dma_wait3A_50 : memref<40x128xi32, #tpu.memory_space<hbm>>) dst(%arg7 : memref<40x128xi32, #tpu.memory_space<vmem>>)
        tpu.yield
      }) : () -> ()
      "tpu.region"() ({
        %run_scoped3A = tpu.sem_alloc : memref<!tpu.dma_semaphore, #tpu.memory_space<semaphore_mem>>
        %dma_start3A_40 = arith.constant 0 : i32
        %dma_start3A_41 = tpu.memref_slice %arg4[%mul3A_21, %dma_start3A_40] : memref<2560x128xi32, #tpu.memory_space<hbm>> -> memref<40x128xi32, #tpu.memory_space<hbm>>
        %dma_start3A_42 = arith.constant 0 : i32
        %dma_start3A_43 = tpu.memref_slice %arg4[%mul3A_21, %dma_start3A_42] : memref<2560x128xi32, #tpu.memory_space<hbm>> -> memref<40x128xi32, #tpu.memory_space<hbm>>
        tpu.enqueue_dma source(%dma_start3A_43 : memref<40x128xi32, #tpu.memory_space<hbm>>) target(%arg8 : memref<40x128xi32, #tpu.memory_space<vmem>>) target_semaphore(%run_scoped3A : memref<!tpu.dma_semaphore, #tpu.memory_space<semaphore_mem>>)
        %dma_wait3A = arith.constant 0 : i32
        %dma_wait3A_44 = tpu.memref_slice %arg4[%mul3A_21, %dma_wait3A] : memref<2560x128xi32, #tpu.memory_space<hbm>> -> memref<40x128xi32, #tpu.memory_space<hbm>>
        %dma_wait3A_45 = arith.constant 0 : i32
        %dma_wait3A_46 = tpu.memref_slice %arg4[%mul3A_21, %dma_wait3A_45] : memref<2560x128xi32, #tpu.memory_space<hbm>> -> memref<40x128xi32, #tpu.memory_space<hbm>>
        tpu.wait_dma2 semaphore(%run_scoped3A : memref<!tpu.dma_semaphore, #tpu.memory_space<semaphore_mem>>) src(%dma_wait3A_46 : memref<40x128xi32, #tpu.memory_space<hbm>>) dst(%arg8 : memref<40x128xi32, #tpu.memory_space<vmem>>)
        tpu.yield
      }) : () -> ()
      %dma_start3A = arith.constant 0 : i32
      %dma_start3A_22 = arith.constant 0 : i32
      %dma_start3A_23 = tpu.memref_slice %arg7[%dma_start3A, %dma_start3A_22] : memref<40x128xi32, #tpu.memory_space<vmem>> -> memref<1x128xi32, #tpu.memory_space<vmem>>
      %dma_start3A_24 = tpu.memref_squeeze %dma_start3A_23 : memref<1x128xi32, #tpu.memory_space<vmem>> -> memref<128xi32, #tpu.memory_space<vmem>>
      %dma_start3A_25 = arith.constant 0 : i32
      %dma_start3A_26 = arith.constant 0 : i32
      %dma_start3A_27 = tpu.memref_slice %arg2[%dma_start3A_25, %dma_start3A_26] : memref<10240x128xf32, #tpu.memory_space<hbm>> -> memref<10240x128xf32, #tpu.memory_space<hbm>>
      tpu.enqueue_indirect_dma source(%dma_start3A_27 : memref<10240x128xf32, #tpu.memory_space<hbm>>) target(%arg9 : memref<128x128xf32, #tpu.memory_space<vmem>>) offsets(%dma_start3A_24 : memref<128xi32, #tpu.memory_space<vmem>>) semaphore(%arg12 : memref<!tpu.dma_semaphore, #tpu.memory_space<semaphore_mem>>)
      %dma_start3A_28 = arith.constant 1 : i32
      %dma_start3A_29 = arith.constant 0 : i32
      %dma_start3A_30 = tpu.memref_slice %arg7[%dma_start3A_28, %dma_start3A_29] : memref<40x128xi32, #tpu.memory_space<vmem>> -> memref<1x128xi32, #tpu.memory_space<vmem>>
      %dma_start3A_31 = tpu.memref_squeeze %dma_start3A_30 : memref<1x128xi32, #tpu.memory_space<vmem>> -> memref<128xi32, #tpu.memory_space<vmem>>
      %dma_start3A_32 = arith.constant 0 : i32
      %dma_start3A_33 = arith.constant 0 : i32
      %dma_start3A_34 = tpu.memref_slice %arg2[%dma_start3A_32, %dma_start3A_33] : memref<10240x128xf32, #tpu.memory_space<hbm>> -> memref<10240x128xf32, #tpu.memory_space<hbm>>
      tpu.enqueue_indirect_dma source(%dma_start3A_34 : memref<10240x128xf32, #tpu.memory_space<hbm>>) target(%arg10 : memref<128x128xf32, #tpu.memory_space<vmem>>) offsets(%dma_start3A_31 : memref<128xi32, #tpu.memory_space<vmem>>) semaphore(%arg13 : memref<!tpu.dma_semaphore, #tpu.memory_space<semaphore_mem>>)
      %scan3A_35 = arith.constant 0 : i32
      %scan3A_36 = arith.constant 20 : i32
      %scan3A_37 = arith.addi %scan3A_35, %scan3A_36 : i32
      %scan3A_38 = arith.constant 1 : i32
      scf.for %scan3A_40 = %scan3A_35 to %scan3A_37 step %scan3A_38  : i32 {
        %mul3A_41 = arith.constant 2 : i32
        %mul3A_42 = arith.muli %mul3A_41, %scan3A_40 : i32
        %dma_wait3A = arith.constant 0 : i32
        %dma_wait3A_43 = tpu.memref_slice %arg7[%mul3A_42, %dma_wait3A] : memref<40x128xi32, #tpu.memory_space<vmem>> -> memref<1x128xi32, #tpu.memory_space<vmem>>
        %dma_wait3A_44 = tpu.memref_squeeze %dma_wait3A_43 : memref<1x128xi32, #tpu.memory_space<vmem>> -> memref<128xi32, #tpu.memory_space<vmem>>
        %dma_wait3A_45 = arith.constant 0 : i32
        %dma_wait3A_46 = arith.constant 0 : i32
        %dma_wait3A_47 = tpu.memref_slice %arg2[%dma_wait3A_45, %dma_wait3A_46] : memref<10240x128xf32, #tpu.memory_space<hbm>> -> memref<10240x128xf32, #tpu.memory_space<hbm>>
        tpu.wait_indirect_dma semaphore(%arg12 : memref<!tpu.dma_semaphore, #tpu.memory_space<semaphore_mem>>) src(%dma_wait3A_47 : memref<10240x128xf32, #tpu.memory_space<hbm>>) dst(%arg9 : memref<128x128xf32, #tpu.memory_space<vmem>>)
        "tpu.region"() ({
          %run_scoped3A = tpu.sem_alloc : memref<!tpu.dma_semaphore, #tpu.memory_space<semaphore_mem>>
          %dma_start3A_69 = arith.constant 0 : i32
          %dma_start3A_70 = tpu.memref_slice %arg8[%mul3A_42, %dma_start3A_69] : memref<40x128xi32, #tpu.memory_space<vmem>> -> memref<1x128xi32, #tpu.memory_space<vmem>>
          %dma_start3A_71 = tpu.memref_squeeze %dma_start3A_70 : memref<1x128xi32, #tpu.memory_space<vmem>> -> memref<128xi32, #tpu.memory_space<vmem>>
          %dma_start3A_72 = arith.constant 0 : i32
          %dma_start3A_73 = arith.constant 0 : i32
          %dma_start3A_74 = tpu.memref_slice %arg11[%dma_start3A_72, %dma_start3A_73] : memref<10240x128xf32, #tpu.memory_space<vmem_shared>> -> memref<10240x128xf32, #tpu.memory_space<vmem_shared>>
          tpu.enqueue_indirect_dma source(%arg9 : memref<128x128xf32, #tpu.memory_space<vmem>>) target(%dma_start3A_74 : memref<10240x128xf32, #tpu.memory_space<vmem_shared>>) offsets(%dma_start3A_71 : memref<128xi32, #tpu.memory_space<vmem>>) semaphore(%run_scoped3A : memref<!tpu.dma_semaphore, #tpu.memory_space<semaphore_mem>>) {add = true}
          %dma_wait3A_75 = arith.constant 0 : i32
          %dma_wait3A_76 = tpu.memref_slice %arg8[%mul3A_42, %dma_wait3A_75] : memref<40x128xi32, #tpu.memory_space<vmem>> -> memref<1x128xi32, #tpu.memory_space<vmem>>
          %dma_wait3A_77 = tpu.memref_squeeze %dma_wait3A_76 : memref<1x128xi32, #tpu.memory_space<vmem>> -> memref<128xi32, #tpu.memory_space<vmem>>
          %dma_wait3A_78 = arith.constant 0 : i32
          %dma_wait3A_79 = arith.constant 0 : i32
          %dma_wait3A_80 = tpu.memref_slice %arg11[%dma_wait3A_78, %dma_wait3A_79] : memref<10240x128xf32, #tpu.memory_space<vmem_shared>> -> memref<10240x128xf32, #tpu.memory_space<vmem_shared>>
          tpu.wait_indirect_dma semaphore(%run_scoped3A : memref<!tpu.dma_semaphore, #tpu.memory_space<semaphore_mem>>) src(%arg9 : memref<128x128xf32, #tpu.memory_space<vmem>>) dst(%dma_wait3A_80 : memref<10240x128xf32, #tpu.memory_space<vmem_shared>>)
          tpu.yield
        }) : () -> ()
        %add3A_48 = arith.constant 2 : i32
        %add3A_49 = arith.addi %mul3A_42, %add3A_48 : i32
        %lt3A = arith.constant 40 : i32
        %lt3A_50 = arith.cmpi slt, %add3A_49, %lt3A : i32
        %convert_element_type3A = arith.extui %lt3A_50 : i1 to i32
        %cond3A = arith.constant 0 : i32
        %cond3A_51 = arith.cmpi ne, %convert_element_type3A, %cond3A : i32
        scf.if %cond3A_51 {
          %add3A_69 = arith.constant 2 : i32
          %add3A_70 = arith.addi %mul3A_42, %add3A_69 : i32
          %dma_start3A_71 = arith.constant 0 : i32
          %dma_start3A_72 = tpu.memref_slice %arg7[%add3A_70, %dma_start3A_71] : memref<40x128xi32, #tpu.memory_space<vmem>> -> memref<1x128xi32, #tpu.memory_space<vmem>>
          %dma_start3A_73 = tpu.memref_squeeze %dma_start3A_72 : memref<1x128xi32, #tpu.memory_space<vmem>> -> memref<128xi32, #tpu.memory_space<vmem>>
          %dma_start3A_74 = arith.constant 0 : i32
          %dma_start3A_75 = arith.constant 0 : i32
          %dma_start3A_76 = tpu.memref_slice %arg2[%dma_start3A_74, %dma_start3A_75] : memref<10240x128xf32, #tpu.memory_space<hbm>> -> memref<10240x128xf32, #tpu.memory_space<hbm>>
          tpu.enqueue_indirect_dma source(%dma_start3A_76 : memref<10240x128xf32, #tpu.memory_space<hbm>>) target(%arg9 : memref<128x128xf32, #tpu.memory_space<vmem>>) offsets(%dma_start3A_73 : memref<128xi32, #tpu.memory_space<vmem>>) semaphore(%arg12 : memref<!tpu.dma_semaphore, #tpu.memory_space<semaphore_mem>>)
        } else {
        }
        %add3A_52 = arith.constant 1 : i32
        %add3A_53 = arith.addi %mul3A_42, %add3A_52 : i32
        %dma_wait3A_54 = arith.constant 0 : i32
        %dma_wait3A_55 = tpu.memref_slice %arg7[%add3A_53, %dma_wait3A_54] : memref<40x128xi32, #tpu.memory_space<vmem>> -> memref<1x128xi32, #tpu.memory_space<vmem>>
        %dma_wait3A_56 = tpu.memref_squeeze %dma_wait3A_55 : memref<1x128xi32, #tpu.memory_space<vmem>> -> memref<128xi32, #tpu.memory_space<vmem>>
        %dma_wait3A_57 = arith.constant 0 : i32
        %dma_wait3A_58 = arith.constant 0 : i32
        %dma_wait3A_59 = tpu.memref_slice %arg2[%dma_wait3A_57, %dma_wait3A_58] : memref<10240x128xf32, #tpu.memory_space<hbm>> -> memref<10240x128xf32, #tpu.memory_space<hbm>>
        tpu.wait_indirect_dma semaphore(%arg13 : memref<!tpu.dma_semaphore, #tpu.memory_space<semaphore_mem>>) src(%dma_wait3A_59 : memref<10240x128xf32, #tpu.memory_space<hbm>>) dst(%arg10 : memref<128x128xf32, #tpu.memory_space<vmem>>)
        %add3A_60 = arith.constant 1 : i32
        %add3A_61 = arith.addi %mul3A_42, %add3A_60 : i32
        "tpu.region"() ({
          %run_scoped3A = tpu.sem_alloc : memref<!tpu.dma_semaphore, #tpu.memory_space<semaphore_mem>>
          %dma_start3A_69 = arith.constant 0 : i32
          %dma_start3A_70 = tpu.memref_slice %arg8[%add3A_61, %dma_start3A_69] : memref<40x128xi32, #tpu.memory_space<vmem>> -> memref<1x128xi32, #tpu.memory_space<vmem>>
          %dma_start3A_71 = tpu.memref_squeeze %dma_start3A_70 : memref<1x128xi32, #tpu.memory_space<vmem>> -> memref<128xi32, #tpu.memory_space<vmem>>
          %dma_start3A_72 = arith.constant 0 : i32
          %dma_start3A_73 = arith.constant 0 : i32
          %dma_start3A_74 = tpu.memref_slice %arg11[%dma_start3A_72, %dma_start3A_73] : memref<10240x128xf32, #tpu.memory_space<vmem_shared>> -> memref<10240x128xf32, #tpu.memory_space<vmem_shared>>
          tpu.enqueue_indirect_dma source(%arg10 : memref<128x128xf32, #tpu.memory_space<vmem>>) target(%dma_start3A_74 : memref<10240x128xf32, #tpu.memory_space<vmem_shared>>) offsets(%dma_start3A_71 : memref<128xi32, #tpu.memory_space<vmem>>) semaphore(%run_scoped3A : memref<!tpu.dma_semaphore, #tpu.memory_space<semaphore_mem>>) {add = true}
          %dma_wait3A_75 = arith.constant 0 : i32
          %dma_wait3A_76 = tpu.memref_slice %arg8[%add3A_61, %dma_wait3A_75] : memref<40x128xi32, #tpu.memory_space<vmem>> -> memref<1x128xi32, #tpu.memory_space<vmem>>
          %dma_wait3A_77 = tpu.memref_squeeze %dma_wait3A_76 : memref<1x128xi32, #tpu.memory_space<vmem>> -> memref<128xi32, #tpu.memory_space<vmem>>
          %dma_wait3A_78 = arith.constant 0 : i32
          %dma_wait3A_79 = arith.constant 0 : i32
          %dma_wait3A_80 = tpu.memref_slice %arg11[%dma_wait3A_78, %dma_wait3A_79] : memref<10240x128xf32, #tpu.memory_space<vmem_shared>> -> memref<10240x128xf32, #tpu.memory_space<vmem_shared>>
          tpu.wait_indirect_dma semaphore(%run_scoped3A : memref<!tpu.dma_semaphore, #tpu.memory_space<semaphore_mem>>) src(%arg10 : memref<128x128xf32, #tpu.memory_space<vmem>>) dst(%dma_wait3A_80 : memref<10240x128xf32, #tpu.memory_space<vmem_shared>>)
          tpu.yield
        }) : () -> ()
        %add3A_62 = arith.constant 3 : i32
        %add3A_63 = arith.addi %mul3A_42, %add3A_62 : i32
        %lt3A_64 = arith.constant 40 : i32
        %lt3A_65 = arith.cmpi slt, %add3A_63, %lt3A_64 : i32
        %convert_element_type3A_66 = arith.extui %lt3A_65 : i1 to i32
        %cond3A_67 = arith.constant 0 : i32
        %cond3A_68 = arith.cmpi ne, %convert_element_type3A_66, %cond3A_67 : i32
        scf.if %cond3A_68 {
          %add3A_69 = arith.constant 3 : i32
          %add3A_70 = arith.addi %mul3A_42, %add3A_69 : i32
          %dma_start3A_71 = arith.constant 0 : i32
          %dma_start3A_72 = tpu.memref_slice %arg7[%add3A_70, %dma_start3A_71] : memref<40x128xi32, #tpu.memory_space<vmem>> -> memref<1x128xi32, #tpu.memory_space<vmem>>
          %dma_start3A_73 = tpu.memref_squeeze %dma_start3A_72 : memref<1x128xi32, #tpu.memory_space<vmem>> -> memref<128xi32, #tpu.memory_space<vmem>>
          %dma_start3A_74 = arith.constant 0 : i32
          %dma_start3A_75 = arith.constant 0 : i32
          %dma_start3A_76 = tpu.memref_slice %arg2[%dma_start3A_74, %dma_start3A_75] : memref<10240x128xf32, #tpu.memory_space<hbm>> -> memref<10240x128xf32, #tpu.memory_space<hbm>>
          tpu.enqueue_indirect_dma source(%dma_start3A_76 : memref<10240x128xf32, #tpu.memory_space<hbm>>) target(%arg10 : memref<128x128xf32, #tpu.memory_space<vmem>>) offsets(%dma_start3A_73 : memref<128xi32, #tpu.memory_space<vmem>>) semaphore(%arg13 : memref<!tpu.dma_semaphore, #tpu.memory_space<semaphore_mem>>)
        } else {
        }
      }
      %scan3A_39 = arith.constant 20 : i32
    }
    %scan3A_10 = arith.constant 2 : i32
    %barrier3A_11 = arith.constant 0 : index
    tpu.barrier barrier_id(%barrier3A_11)
    %mul3A_12 = arith.constant 640 : i32
    %mul3A_13 = arith.muli %arg1, %mul3A_12 : i32
    %mul3A_14 = arith.constant 640 : i32
    %mul3A_15 = arith.muli %arg1, %mul3A_14 : i32
    "tpu.region"() ({
      %run_scoped3A = tpu.sem_alloc : memref<!tpu.dma_semaphore, #tpu.memory_space<semaphore_mem>>
      %dma_start3A = arith.constant 0 : i32
      %dma_start3A_16 = tpu.memref_slice %arg6[%arg0, %mul3A_15, %dma_start3A] : memref<2x10240x128xf32, #tpu.memory_space<hbm>> -> memref<1x640x128xf32, #tpu.memory_space<hbm>>
      %dma_start3A_17 = tpu.memref_squeeze %dma_start3A_16 : memref<1x640x128xf32, #tpu.memory_space<hbm>> -> memref<640x128xf32, #tpu.memory_space<hbm>>
      %dma_start3A_18 = arith.constant 0 : i32
      %dma_start3A_19 = tpu.memref_slice %arg11[%mul3A_13, %dma_start3A_18] : memref<10240x128xf32, #tpu.memory_space<vmem_shared>> -> memref<640x128xf32, #tpu.memory_space<vmem_shared>>
      tpu.enqueue_dma source(%dma_start3A_19 : memref<640x128xf32, #tpu.memory_space<vmem_shared>>) target(%dma_start3A_17 : memref<640x128xf32, #tpu.memory_space<hbm>>) target_semaphore(%run_scoped3A : memref<!tpu.dma_semaphore, #tpu.memory_space<semaphore_mem>>)
      %dma_wait3A = arith.constant 0 : i32
      %dma_wait3A_20 = tpu.memref_slice %arg6[%arg0, %mul3A_15, %dma_wait3A] : memref<2x10240x128xf32, #tpu.memory_space<hbm>> -> memref<1x640x128xf32, #tpu.memory_space<hbm>>
      %dma_wait3A_21 = tpu.memref_squeeze %dma_wait3A_20 : memref<1x640x128xf32, #tpu.memory_space<hbm>> -> memref<640x128xf32, #tpu.memory_space<hbm>>
      %dma_wait3A_22 = arith.constant 0 : i32
      %dma_wait3A_23 = tpu.memref_slice %arg11[%mul3A_13, %dma_wait3A_22] : memref<10240x128xf32, #tpu.memory_space<vmem_shared>> -> memref<640x128xf32, #tpu.memory_space<vmem_shared>>
      tpu.wait_dma2 semaphore(%run_scoped3A : memref<!tpu.dma_semaphore, #tpu.memory_space<semaphore_mem>>) src(%dma_wait3A_23 : memref<640x128xf32, #tpu.memory_space<vmem_shared>>) dst(%dma_wait3A_21 : memref<640x128xf32, #tpu.memory_space<hbm>>)
      tpu.yield
    }) : () -> ()
    return
  }
}

module attributes {stable_mosaic.version = 14 : i64} {
  func.func @_prep_body(%arg0: i32, %arg1: memref<2x1024x128xf32, #tpu.memory_space<vmem>>, %arg2: memref<1024x128xf32, #tpu.memory_space<vmem>>, %arg3: memref<1024x1xf32, #tpu.memory_space<vmem>>, %arg4: memref<1024x128xf32, #tpu.memory_space<vmem>>) attributes {dimension_semantics = [#tpu.dimension_semantics<arbitrary>], iteration_bounds = array<i64: 10>, scalar_prefetch = 0 : i64, scratch_operands = 0 : i64, tpu.core_type = #tpu.core_type<tc>, window_params = [{transform_indices = @transform_0, window_bounds = array<i64: 2, 1024, 128>}, {transform_indices = @transform_1, window_bounds = array<i64: 1024, 128>}, {transform_indices = @transform_2, window_bounds = array<i64: 1024, 1>}, {transform_indices = @transform_3, window_bounds = array<i64: 1024, 128>}]} {
    %get3A = arith.constant 0 : index
    %get3A_0 = arith.constant 0 : index
    %get3A_1 = arith.constant 0 : index
    %get3A_2 = vector.load %arg1[%get3A, %get3A_0, %get3A_1] : memref<2x1024x128xf32, #tpu.memory_space<vmem>>, vector<1x1024x1xf32>
    %get3A_3 = vector.shape_cast %get3A_2 : vector<1x1024x1xf32> to vector<1024x1xf32>
    %get3A_4 = arith.constant 1 : index
    %get3A_5 = arith.constant 0 : index
    %get3A_6 = arith.constant 0 : index
    %get3A_7 = vector.load %arg1[%get3A_4, %get3A_5, %get3A_6] : memref<2x1024x128xf32, #tpu.memory_space<vmem>>, vector<1x1024x1xf32>
    %get3A_8 = vector.shape_cast %get3A_7 : vector<1x1024x1xf32> to vector<1024x1xf32>
    %add3A = arith.addf %get3A_3, %get3A_8 : vector<1024x1xf32>
    %max3A = arith.constant 1.000000e+00 : f32
    %max3A_9 = vector.broadcast %max3A : f32 to vector<1024x1xf32>
    %max3A_10 = arith.maximumf %add3A, %max3A_9 : vector<1024x1xf32>
    %rsqrt3A = math.rsqrt %max3A_10 : vector<1024x1xf32>
    %swap3A = arith.constant 0 : index
    %swap3A_11 = arith.constant 0 : index
    %swap3A_12 = vector.load %arg3[%swap3A, %swap3A_11] : memref<1024x1xf32, #tpu.memory_space<vmem>>, vector<1024x1xf32>
    tpu.vector_store %arg3[%swap3A, %swap3A_11], %rsqrt3A {strides = array<i32>} : memref<1024x1xf32, #tpu.memory_space<vmem>>, vector<1024x1xf32>,
    %get3A_13 = arith.constant 0 : index
    %get3A_14 = arith.constant 0 : index
    %get3A_15 = vector.load %arg2[%get3A_13, %get3A_14] : memref<1024x128xf32, #tpu.memory_space<vmem>>, vector<1024x128xf32>
    %mul3A = vector.broadcast %rsqrt3A : vector<1024x1xf32> to vector<1024x128xf32>
    %mul3A_16 = arith.mulf %get3A_15, %mul3A : vector<1024x128xf32>
    %swap3A_17 = arith.constant 0 : index
    %swap3A_18 = arith.constant 0 : index
    %swap3A_19 = vector.load %arg4[%swap3A_17, %swap3A_18] : memref<1024x128xf32, #tpu.memory_space<vmem>>, vector<1024x128xf32>
    tpu.vector_store %arg4[%swap3A_17, %swap3A_18], %mul3A_16 {strides = array<i32>} : memref<1024x128xf32, #tpu.memory_space<vmem>>, vector<1024x128xf32>,
    return
  }
  func.func @transform_0(%arg0: i32) -> (i32, i32, i32) {
    %c0_i32 = arith.constant 0 : i32
    %c0_i32_0 = arith.constant 0 : i32
    %c0_i32_1 = arith.constant 0 : i32
    return %c0_i32, %arg0, %c0_i32_0 : i32, i32, i32
  }
  func.func @transform_1(%arg0: i32) -> (i32, i32) {
    %c0_i32 = arith.constant 0 : i32
    %c0_i32_0 = arith.constant 0 : i32
    return %arg0, %c0_i32 : i32, i32
  }
  func.func @transform_2(%arg0: i32) -> (i32, i32) {
    %c0_i32 = arith.constant 0 : i32
    %c0_i32_0 = arith.constant 0 : i32
    return %arg0, %c0_i32 : i32, i32
  }
  func.func @transform_3(%arg0: i32) -> (i32, i32) {
    %c0_i32 = arith.constant 0 : i32
    %c0_i32_0 = arith.constant 0 : i32
    return %arg0, %c0_i32 : i32, i32
  }
}

module attributes {stable_mosaic.version = 14 : i64} {
  func.func @_mid_body(%arg0: i32, %arg1: memref<2x1024x128xf32, #tpu.memory_space<vmem>>, %arg2: memref<1024x1xf32, #tpu.memory_space<vmem>>, %arg3: memref<2x128x128xf32, #tpu.memory_space<vmem>>, %arg4: memref<2x128xf32, #tpu.memory_space<vmem>>, %arg5: memref<2x128x128xf32, #tpu.memory_space<vmem>>, %arg6: memref<2x128xf32, #tpu.memory_space<vmem>>, %arg7: memref<1024x128xf32, #tpu.memory_space<vmem>>, %arg8: memref<2x1024x128xf32, #tpu.memory_space<vmem>>) attributes {dimension_semantics = [#tpu.dimension_semantics<arbitrary>], iteration_bounds = array<i64: 10>, scalar_prefetch = 0 : i64, scratch_operands = 0 : i64, tpu.core_type = #tpu.core_type<tc>, window_params = [{transform_indices = @transform_0, window_bounds = array<i64: 2, 1024, 128>}, {transform_indices = @transform_1, window_bounds = array<i64: 1024, 1>}, {pipeline_mode = #tpu.pipeline_mode<synchronous>, transform_indices = @transform_2, window_bounds = array<i64: 2, 128, 128>}, {pipeline_mode = #tpu.pipeline_mode<synchronous>, transform_indices = @transform_3, window_bounds = array<i64: 2, 128>}, {pipeline_mode = #tpu.pipeline_mode<synchronous>, transform_indices = @transform_4, window_bounds = array<i64: 2, 128, 128>}, {pipeline_mode = #tpu.pipeline_mode<synchronous>, transform_indices = @transform_5, window_bounds = array<i64: 2, 128>}, {transform_indices = @transform_6, window_bounds = array<i64: 1024, 128>}, {transform_indices = @transform_7, window_bounds = array<i64: 2, 1024, 128>}]} {
    %get3A = arith.constant 0 : index
    %get3A_0 = arith.constant 0 : index
    %get3A_1 = vector.load %arg2[%get3A, %get3A_0] : memref<1024x1xf32, #tpu.memory_space<vmem>>, vector<1024x1xf32>
    %get3A_2 = arith.constant 0 : index
    %get3A_3 = arith.constant 0 : index
    %get3A_4 = vector.load %arg7[%get3A_2, %get3A_3] : memref<1024x128xf32, #tpu.memory_space<vmem>>, vector<1024x128xf32>
    %get3A_5 = arith.constant 0 : index
    %get3A_6 = arith.constant 0 : index
    %get3A_7 = arith.constant 0 : index
    %get3A_8 = vector.load %arg1[%get3A_5, %get3A_6, %get3A_7] : memref<2x1024x128xf32, #tpu.memory_space<vmem>>, vector<1x1024x128xf32>
    %get3A_9 = vector.shape_cast %get3A_8 : vector<1x1024x128xf32> to vector<1024x128xf32>
    %get3A_10 = arith.constant 1 : index
    %get3A_11 = arith.constant 0 : index
    %get3A_12 = arith.constant 0 : index
    %get3A_13 = vector.load %arg1[%get3A_10, %get3A_11, %get3A_12] : memref<2x1024x128xf32, #tpu.memory_space<vmem>>, vector<1x1024x128xf32>
    %get3A_14 = vector.shape_cast %get3A_13 : vector<1x1024x128xf32> to vector<1024x128xf32>
    %add3A = arith.addf %get3A_9, %get3A_14 : vector<1024x128xf32>
    %mul3A = vector.broadcast %get3A_1 : vector<1024x1xf32> to vector<1024x128xf32>
    %mul3A_15 = arith.mulf %add3A, %mul3A : vector<1024x128xf32>
    %get3A_16 = arith.constant 0 : index
    %get3A_17 = arith.constant 0 : index
    %get3A_18 = arith.constant 0 : index
    %get3A_19 = vector.load %arg5[%get3A_16, %get3A_17, %get3A_18] : memref<2x128x128xf32, #tpu.memory_space<vmem>>, vector<1x128x128xf32>
    %get3A_20 = vector.shape_cast %get3A_19 : vector<1x128x128xf32> to vector<128x128xf32>
    %dot_general3A = arith.constant dense<0.000000e+00> : vector<1024x128xf32>
    %dot_general3A_21 = tpu.matmul %get3A_4, %get3A_20, %dot_general3A {dimension_numbers = #tpu.dot_dimension_numbers<[1], [0], [0], [1], [0, 0, 1, 1], [], []>, transpose_lhs_hint = false} : vector<1024x128xf32>, vector<128x128xf32>, vector<1024x128xf32> -> vector<1024x128xf32>
    %get3A_22 = arith.constant 0 : index
    %get3A_23 = arith.constant 0 : index
    %get3A_24 = vector.load %arg6[%get3A_22, %get3A_23] : memref<2x128xf32, #tpu.memory_space<vmem>>, vector<1x128xf32>
    %add3A_25 = vector.broadcast %get3A_24 : vector<1x128xf32> to vector<1024x128xf32>
    %add3A_26 = arith.addf %dot_general3A_21, %add3A_25 : vector<1024x128xf32>
    %get3A_27 = arith.constant 0 : index
    %get3A_28 = arith.constant 0 : index
    %get3A_29 = arith.constant 0 : index
    %get3A_30 = vector.load %arg3[%get3A_27, %get3A_28, %get3A_29] : memref<2x128x128xf32, #tpu.memory_space<vmem>>, vector<1x128x128xf32>
    %get3A_31 = vector.shape_cast %get3A_30 : vector<1x128x128xf32> to vector<128x128xf32>
    %dot_general3A_32 = arith.constant dense<0.000000e+00> : vector<1024x128xf32>
    %dot_general3A_33 = tpu.matmul %mul3A_15, %get3A_31, %dot_general3A_32 {dimension_numbers = #tpu.dot_dimension_numbers<[1], [0], [0], [1], [0, 0, 1, 1], [], []>, transpose_lhs_hint = false} : vector<1024x128xf32>, vector<128x128xf32>, vector<1024x128xf32> -> vector<1024x128xf32>
    %get3A_34 = arith.constant 0 : index
    %get3A_35 = arith.constant 0 : index
    %get3A_36 = vector.load %arg4[%get3A_34, %get3A_35] : memref<2x128xf32, #tpu.memory_space<vmem>>, vector<1x128xf32>
    %add3A_37 = vector.broadcast %get3A_36 : vector<1x128xf32> to vector<1024x128xf32>
    %add3A_38 = arith.addf %dot_general3A_33, %add3A_37 : vector<1024x128xf32>
    %add3A_39 = arith.addf %add3A_38, %add3A_26 : vector<1024x128xf32>
    %mul3A_40 = vector.broadcast %get3A_1 : vector<1024x1xf32> to vector<1024x128xf32>
    %mul3A_41 = arith.mulf %add3A_39, %mul3A_40 : vector<1024x128xf32>
    %swap3A = arith.constant 0 : index
    %swap3A_42 = arith.constant 0 : index
    %swap3A_43 = arith.constant 0 : index
    %swap3A_44 = vector.load %arg8[%swap3A, %swap3A_42, %swap3A_43] : memref<2x1024x128xf32, #tpu.memory_space<vmem>>, vector<1x1024x128xf32>
    %swap3A_45 = vector.shape_cast %swap3A_44 : vector<1x1024x128xf32> to vector<1024x128xf32>
    %swap3A_46 = vector.shape_cast %mul3A_41 : vector<1024x128xf32> to vector<1x1024x128xf32>
    tpu.vector_store %arg8[%swap3A, %swap3A_42, %swap3A_43], %swap3A_46 {strides = array<i32>} : memref<2x1024x128xf32, #tpu.memory_space<vmem>>, vector<1x1024x128xf32>,
    %get3A_47 = arith.constant 1 : index
    %get3A_48 = arith.constant 0 : index
    %get3A_49 = arith.constant 0 : index
    %get3A_50 = vector.load %arg5[%get3A_47, %get3A_48, %get3A_49] : memref<2x128x128xf32, #tpu.memory_space<vmem>>, vector<1x128x128xf32>
    %get3A_51 = vector.shape_cast %get3A_50 : vector<1x128x128xf32> to vector<128x128xf32>
    %dot_general3A_52 = arith.constant dense<0.000000e+00> : vector<1024x128xf32>
    %dot_general3A_53 = tpu.matmul %get3A_4, %get3A_51, %dot_general3A_52 {dimension_numbers = #tpu.dot_dimension_numbers<[1], [0], [0], [1], [0, 0, 1, 1], [], []>, transpose_lhs_hint = false} : vector<1024x128xf32>, vector<128x128xf32>, vector<1024x128xf32> -> vector<1024x128xf32>
    %get3A_54 = arith.constant 1 : index
    %get3A_55 = arith.constant 0 : index
    %get3A_56 = vector.load %arg6[%get3A_54, %get3A_55] : memref<2x128xf32, #tpu.memory_space<vmem>>, vector<1x128xf32>
    %add3A_57 = vector.broadcast %get3A_56 : vector<1x128xf32> to vector<1024x128xf32>
    %add3A_58 = arith.addf %dot_general3A_53, %add3A_57 : vector<1024x128xf32>
    %get3A_59 = arith.constant 1 : index
    %get3A_60 = arith.constant 0 : index
    %get3A_61 = arith.constant 0 : index
    %get3A_62 = vector.load %arg3[%get3A_59, %get3A_60, %get3A_61] : memref<2x128x128xf32, #tpu.memory_space<vmem>>, vector<1x128x128xf32>
    %get3A_63 = vector.shape_cast %get3A_62 : vector<1x128x128xf32> to vector<128x128xf32>
    %dot_general3A_64 = arith.constant dense<0.000000e+00> : vector<1024x128xf32>
    %dot_general3A_65 = tpu.matmul %mul3A_15, %get3A_63, %dot_general3A_64 {dimension_numbers = #tpu.dot_dimension_numbers<[1], [0], [0], [1], [0, 0, 1, 1], [], []>, transpose_lhs_hint = false} : vector<1024x128xf32>, vector<128x128xf32>, vector<1024x128xf32> -> vector<1024x128xf32>
    %get3A_66 = arith.constant 1 : index
    %get3A_67 = arith.constant 0 : index
    %get3A_68 = vector.load %arg4[%get3A_66, %get3A_67] : memref<2x128xf32, #tpu.memory_space<vmem>>, vector<1x128xf32>
    %add3A_69 = vector.broadcast %get3A_68 : vector<1x128xf32> to vector<1024x128xf32>
    %add3A_70 = arith.addf %dot_general3A_65, %add3A_69 : vector<1024x128xf32>
    %add3A_71 = arith.addf %add3A_70, %add3A_58 : vector<1024x128xf32>
    %mul3A_72 = vector.broadcast %get3A_1 : vector<1024x1xf32> to vector<1024x128xf32>
    %mul3A_73 = arith.mulf %add3A_71, %mul3A_72 : vector<1024x128xf32>
    %swap3A_74 = arith.constant 1 : index
    %swap3A_75 = arith.constant 0 : index
    %swap3A_76 = arith.constant 0 : index
    %swap3A_77 = vector.load %arg8[%swap3A_74, %swap3A_75, %swap3A_76] : memref<2x1024x128xf32, #tpu.memory_space<vmem>>, vector<1x1024x128xf32>
    %swap3A_78 = vector.shape_cast %swap3A_77 : vector<1x1024x128xf32> to vector<1024x128xf32>
    %swap3A_79 = vector.shape_cast %mul3A_73 : vector<1024x128xf32> to vector<1x1024x128xf32>
    tpu.vector_store %arg8[%swap3A_74, %swap3A_75, %swap3A_76], %swap3A_79 {strides = array<i32>} : memref<2x1024x128xf32, #tpu.memory_space<vmem>>, vector<1x1024x128xf32>,
    return
  }
  func.func @transform_0(%arg0: i32) -> (i32, i32, i32) {
    %c0_i32 = arith.constant 0 : i32
    %c0_i32_0 = arith.constant 0 : i32
    %c0_i32_1 = arith.constant 0 : i32
    return %c0_i32, %arg0, %c0_i32_0 : i32, i32, i32
  }
  func.func @transform_1(%arg0: i32) -> (i32, i32) {
    %c0_i32 = arith.constant 0 : i32
    %c0_i32_0 = arith.constant 0 : i32
    return %arg0, %c0_i32 : i32, i32
  }
  func.func @transform_2(%arg0: i32) -> (i32, i32, i32) {
    %c0_i32 = arith.constant 0 : i32
    %c0_i32_0 = arith.constant 0 : i32
    %c0_i32_1 = arith.constant 0 : i32
    %c0_i32_2 = arith.constant 0 : i32
    return %c0_i32, %c0_i32_0, %c0_i32_1 : i32, i32, i32
  }
  func.func @transform_3(%arg0: i32) -> (i32, i32) {
    %c0_i32 = arith.constant 0 : i32
    %c0_i32_0 = arith.constant 0 : i32
    %c0_i32_1 = arith.constant 0 : i32
    return %c0_i32, %c0_i32_0 : i32, i32
  }
  func.func @transform_4(%arg0: i32) -> (i32, i32, i32) {
    %c0_i32 = arith.constant 0 : i32
    %c0_i32_0 = arith.constant 0 : i32
    %c0_i32_1 = arith.constant 0 : i32
    %c0_i32_2 = arith.constant 0 : i32
    return %c0_i32, %c0_i32_0, %c0_i32_1 : i32, i32, i32
  }
  func.func @transform_5(%arg0: i32) -> (i32, i32) {
    %c0_i32 = arith.constant 0 : i32
    %c0_i32_0 = arith.constant 0 : i32
    %c0_i32_1 = arith.constant 0 : i32
    return %c0_i32, %c0_i32_0 : i32, i32
  }
  func.func @transform_6(%arg0: i32) -> (i32, i32) {
    %c0_i32 = arith.constant 0 : i32
    %c0_i32_0 = arith.constant 0 : i32
    return %arg0, %c0_i32 : i32, i32
  }
  func.func @transform_7(%arg0: i32) -> (i32, i32, i32) {
    %c0_i32 = arith.constant 0 : i32
    %c0_i32_0 = arith.constant 0 : i32
    %c0_i32_1 = arith.constant 0 : i32
    return %c0_i32, %arg0, %c0_i32_0 : i32, i32, i32
  }
}

module attributes {stable_mosaic.version = 14 : i64} {
  func.func @_final_body(%arg0: i32, %arg1: memref<2x1024x128xf32, #tpu.memory_space<vmem>>, %arg2: memref<1024x1xf32, #tpu.memory_space<vmem>>, %arg3: memref<2x128x128xf32, #tpu.memory_space<vmem>>, %arg4: memref<2x128xf32, #tpu.memory_space<vmem>>, %arg5: memref<2x128x128xf32, #tpu.memory_space<vmem>>, %arg6: memref<2x128xf32, #tpu.memory_space<vmem>>, %arg7: memref<1024x128xf32, #tpu.memory_space<vmem>>, %arg8: memref<1024x128xf32, #tpu.memory_space<vmem>>) attributes {dimension_semantics = [#tpu.dimension_semantics<arbitrary>], iteration_bounds = array<i64: 10>, scalar_prefetch = 0 : i64, scratch_operands = 0 : i64, tpu.core_type = #tpu.core_type<tc>, window_params = [{transform_indices = @transform_0, window_bounds = array<i64: 2, 1024, 128>}, {transform_indices = @transform_1, window_bounds = array<i64: 1024, 1>}, {pipeline_mode = #tpu.pipeline_mode<synchronous>, transform_indices = @transform_2, window_bounds = array<i64: 2, 128, 128>}, {pipeline_mode = #tpu.pipeline_mode<synchronous>, transform_indices = @transform_3, window_bounds = array<i64: 2, 128>}, {pipeline_mode = #tpu.pipeline_mode<synchronous>, transform_indices = @transform_4, window_bounds = array<i64: 2, 128, 128>}, {pipeline_mode = #tpu.pipeline_mode<synchronous>, transform_indices = @transform_5, window_bounds = array<i64: 2, 128>}, {transform_indices = @transform_6, window_bounds = array<i64: 1024, 128>}, {transform_indices = @transform_7, window_bounds = array<i64: 1024, 128>}]} {
    %get3A = arith.constant 0 : index
    %get3A_0 = arith.constant 0 : index
    %get3A_1 = vector.load %arg2[%get3A, %get3A_0] : memref<1024x1xf32, #tpu.memory_space<vmem>>, vector<1024x1xf32>
    %get3A_2 = arith.constant 0 : index
    %get3A_3 = arith.constant 0 : index
    %get3A_4 = vector.load %arg7[%get3A_2, %get3A_3] : memref<1024x128xf32, #tpu.memory_space<vmem>>, vector<1024x128xf32>
    %broadcast_in_dim3A = arith.constant 0.000000e+00 : f32
    %broadcast_in_dim3A_5 = vector.broadcast %broadcast_in_dim3A : f32 to vector<1024x128xf32>
    %get3A_6 = arith.constant 0 : index
    %get3A_7 = arith.constant 0 : index
    %get3A_8 = arith.constant 0 : index
    %get3A_9 = vector.load %arg5[%get3A_6, %get3A_7, %get3A_8] : memref<2x128x128xf32, #tpu.memory_space<vmem>>, vector<1x128x128xf32>
    %get3A_10 = vector.shape_cast %get3A_9 : vector<1x128x128xf32> to vector<128x128xf32>
    %dot_general3A = arith.constant dense<0.000000e+00> : vector<1024x128xf32>
    %dot_general3A_11 = tpu.matmul %get3A_4, %get3A_10, %dot_general3A {dimension_numbers = #tpu.dot_dimension_numbers<[1], [0], [0], [1], [0, 0, 1, 1], [], []>, transpose_lhs_hint = false} : vector<1024x128xf32>, vector<128x128xf32>, vector<1024x128xf32> -> vector<1024x128xf32>
    %get3A_12 = arith.constant 0 : index
    %get3A_13 = arith.constant 0 : index
    %get3A_14 = vector.load %arg6[%get3A_12, %get3A_13] : memref<2x128xf32, #tpu.memory_space<vmem>>, vector<1x128xf32>
    %add3A = vector.broadcast %get3A_14 : vector<1x128xf32> to vector<1024x128xf32>
    %add3A_15 = arith.addf %dot_general3A_11, %add3A : vector<1024x128xf32>
    %get3A_16 = arith.constant 0 : index
    %get3A_17 = arith.constant 0 : index
    %get3A_18 = arith.constant 0 : index
    %get3A_19 = vector.load %arg1[%get3A_16, %get3A_17, %get3A_18] : memref<2x1024x128xf32, #tpu.memory_space<vmem>>, vector<1x1024x128xf32>
    %get3A_20 = vector.shape_cast %get3A_19 : vector<1x1024x128xf32> to vector<1024x128xf32>
    %mul3A = vector.broadcast %get3A_1 : vector<1024x1xf32> to vector<1024x128xf32>
    %mul3A_21 = arith.mulf %get3A_20, %mul3A : vector<1024x128xf32>
    %get3A_22 = arith.constant 0 : index
    %get3A_23 = arith.constant 0 : index
    %get3A_24 = arith.constant 0 : index
    %get3A_25 = vector.load %arg3[%get3A_22, %get3A_23, %get3A_24] : memref<2x128x128xf32, #tpu.memory_space<vmem>>, vector<1x128x128xf32>
    %get3A_26 = vector.shape_cast %get3A_25 : vector<1x128x128xf32> to vector<128x128xf32>
    %dot_general3A_27 = arith.constant dense<0.000000e+00> : vector<1024x128xf32>
    %dot_general3A_28 = tpu.matmul %mul3A_21, %get3A_26, %dot_general3A_27 {dimension_numbers = #tpu.dot_dimension_numbers<[1], [0], [0], [1], [0, 0, 1, 1], [], []>, transpose_lhs_hint = false} : vector<1024x128xf32>, vector<128x128xf32>, vector<1024x128xf32> -> vector<1024x128xf32>
    %get3A_29 = arith.constant 0 : index
    %get3A_30 = arith.constant 0 : index
    %get3A_31 = vector.load %arg4[%get3A_29, %get3A_30] : memref<2x128xf32, #tpu.memory_space<vmem>>, vector<1x128xf32>
    %add3A_32 = vector.broadcast %get3A_31 : vector<1x128xf32> to vector<1024x128xf32>
    %add3A_33 = arith.addf %dot_general3A_28, %add3A_32 : vector<1024x128xf32>
    %add3A_34 = arith.addf %add3A_33, %add3A_15 : vector<1024x128xf32>
    %add3A_35 = arith.addf %broadcast_in_dim3A_5, %add3A_34 : vector<1024x128xf32>
    %get3A_36 = arith.constant 1 : index
    %get3A_37 = arith.constant 0 : index
    %get3A_38 = arith.constant 0 : index
    %get3A_39 = vector.load %arg5[%get3A_36, %get3A_37, %get3A_38] : memref<2x128x128xf32, #tpu.memory_space<vmem>>, vector<1x128x128xf32>
    %get3A_40 = vector.shape_cast %get3A_39 : vector<1x128x128xf32> to vector<128x128xf32>
    %dot_general3A_41 = arith.constant dense<0.000000e+00> : vector<1024x128xf32>
    %dot_general3A_42 = tpu.matmul %get3A_4, %get3A_40, %dot_general3A_41 {dimension_numbers = #tpu.dot_dimension_numbers<[1], [0], [0], [1], [0, 0, 1, 1], [], []>, transpose_lhs_hint = false} : vector<1024x128xf32>, vector<128x128xf32>, vector<1024x128xf32> -> vector<1024x128xf32>
    %get3A_43 = arith.constant 1 : index
    %get3A_44 = arith.constant 0 : index
    %get3A_45 = vector.load %arg6[%get3A_43, %get3A_44] : memref<2x128xf32, #tpu.memory_space<vmem>>, vector<1x128xf32>
    %add3A_46 = vector.broadcast %get3A_45 : vector<1x128xf32> to vector<1024x128xf32>
    %add3A_47 = arith.addf %dot_general3A_42, %add3A_46 : vector<1024x128xf32>
    %get3A_48 = arith.constant 1 : index
    %get3A_49 = arith.constant 0 : index
    %get3A_50 = arith.constant 0 : index
    %get3A_51 = vector.load %arg1[%get3A_48, %get3A_49, %get3A_50] : memref<2x1024x128xf32, #tpu.memory_space<vmem>>, vector<1x1024x128xf32>
    %get3A_52 = vector.shape_cast %get3A_51 : vector<1x1024x128xf32> to vector<1024x128xf32>
    %mul3A_53 = vector.broadcast %get3A_1 : vector<1024x1xf32> to vector<1024x128xf32>
    %mul3A_54 = arith.mulf %get3A_52, %mul3A_53 : vector<1024x128xf32>
    %get3A_55 = arith.constant 1 : index
    %get3A_56 = arith.constant 0 : index
    %get3A_57 = arith.constant 0 : index
    %get3A_58 = vector.load %arg3[%get3A_55, %get3A_56, %get3A_57] : memref<2x128x128xf32, #tpu.memory_space<vmem>>, vector<1x128x128xf32>
    %get3A_59 = vector.shape_cast %get3A_58 : vector<1x128x128xf32> to vector<128x128xf32>
    %dot_general3A_60 = arith.constant dense<0.000000e+00> : vector<1024x128xf32>
    %dot_general3A_61 = tpu.matmul %mul3A_54, %get3A_59, %dot_general3A_60 {dimension_numbers = #tpu.dot_dimension_numbers<[1], [0], [0], [1], [0, 0, 1, 1], [], []>, transpose_lhs_hint = false} : vector<1024x128xf32>, vector<128x128xf32>, vector<1024x128xf32> -> vector<1024x128xf32>
    %get3A_62 = arith.constant 1 : index
    %get3A_63 = arith.constant 0 : index
    %get3A_64 = vector.load %arg4[%get3A_62, %get3A_63] : memref<2x128xf32, #tpu.memory_space<vmem>>, vector<1x128xf32>
    %add3A_65 = vector.broadcast %get3A_64 : vector<1x128xf32> to vector<1024x128xf32>
    %add3A_66 = arith.addf %dot_general3A_61, %add3A_65 : vector<1024x128xf32>
    %add3A_67 = arith.addf %add3A_66, %add3A_47 : vector<1024x128xf32>
    %add3A_68 = arith.addf %add3A_35, %add3A_67 : vector<1024x128xf32>
    %mul3A_69 = arith.constant 5.000000e-01 : f32
    %mul3A_70 = vector.broadcast %mul3A_69 : f32 to vector<1024x128xf32>
    %mul3A_71 = arith.mulf %add3A_68, %mul3A_70 : vector<1024x128xf32>
    %swap3A = arith.constant 0 : index
    %swap3A_72 = arith.constant 0 : index
    %swap3A_73 = vector.load %arg8[%swap3A, %swap3A_72] : memref<1024x128xf32, #tpu.memory_space<vmem>>, vector<1024x128xf32>
    tpu.vector_store %arg8[%swap3A, %swap3A_72], %mul3A_71 {strides = array<i32>} : memref<1024x128xf32, #tpu.memory_space<vmem>>, vector<1024x128xf32>,
    return
  }
  func.func @transform_0(%arg0: i32) -> (i32, i32, i32) {
    %c0_i32 = arith.constant 0 : i32
    %c0_i32_0 = arith.constant 0 : i32
    %c0_i32_1 = arith.constant 0 : i32
    return %c0_i32, %arg0, %c0_i32_0 : i32, i32, i32
  }
  func.func @transform_1(%arg0: i32) -> (i32, i32) {
    %c0_i32 = arith.constant 0 : i32
    %c0_i32_0 = arith.constant 0 : i32
    return %arg0, %c0_i32 : i32, i32
  }
  func.func @transform_2(%arg0: i32) -> (i32, i32, i32) {
    %c0_i32 = arith.constant 0 : i32
    %c0_i32_0 = arith.constant 0 : i32
    %c0_i32_1 = arith.constant 0 : i32
    %c0_i32_2 = arith.constant 0 : i32
    return %c0_i32, %c0_i32_0, %c0_i32_1 : i32, i32, i32
  }
  func.func @transform_3(%arg0: i32) -> (i32, i32) {
    %c0_i32 = arith.constant 0 : i32
    %c0_i32_0 = arith.constant 0 : i32
    %c0_i32_1 = arith.constant 0 : i32
    return %c0_i32, %c0_i32_0 : i32, i32
  }
  func.func @transform_4(%arg0: i32) -> (i32, i32, i32) {
    %c0_i32 = arith.constant 0 : i32
    %c0_i32_0 = arith.constant 0 : i32
    %c0_i32_1 = arith.constant 0 : i32
    %c0_i32_2 = arith.constant 0 : i32
    return %c0_i32, %c0_i32_0, %c0_i32_1 : i32, i32, i32
  }
  func.func @transform_5(%arg0: i32) -> (i32, i32) {
    %c0_i32 = arith.constant 0 : i32
    %c0_i32_0 = arith.constant 0 : i32
    %c0_i32_1 = arith.constant 0 : i32
    return %c0_i32, %c0_i32_0 : i32, i32
  }
  func.func @transform_6(%arg0: i32) -> (i32, i32) {
    %c0_i32 = arith.constant 0 : i32
    %c0_i32_0 = arith.constant 0 : i32
    return %arg0, %c0_i32 : i32, i32
  }
  func.func @transform_7(%arg0: i32) -> (i32, i32) {
    %c0_i32 = arith.constant 0 : i32
    %c0_i32_0 = arith.constant 0 : i32
    return %arg0, %c0_i32 : i32, i32
  }
}

</mosaic_0001>

<sc_bundles>
// kernel: kernel.11.cloned.1.call-start
scs
__scs_entry_jumppad:
0x0: {  	(pc) =	sbr.rel $0x88, $3  }
0x1: {  	(tag) =	ssettag $0x0;
	lr =	simm.s32 $0x1  }
0x2: {  	[smem:$0x3F99] =	sst lr;
	_ =	strace $0xD0000000  }
0x3: {  	_ = 	snop  }
0x4: {  	_ = 	snop  }
0x5: {  	_ = 	snop  }
0x6: {  	_ = 	snop  }
0x7: {  	_ = 	snop  }
__scs_overlays_trampoline_lowered:
0x8: {  	[smem:$0x3FA8] =	sst s0  }
0x9: {  	[smem:$0x3FA9] =	sst s1  }
0xa: {  	[smem:$0x3FAA] =	sst s2  }
0xb: {  	[smem:$0x3FAB] =	sst s3  }
0xc: {  	[smem:$0x3FAC] =	sst s4  }
0xd: {  	[smem:$0x3FAD] =	sst s5  }
0xe: {  	[smem:$0x3FAE] =	sst s6  }
0xf: {  	[smem:$0x3FAF] =	sst s7  }
0x10: {  	[smem:$0x3FB0] =	sst s8  }
0x11: {  	[smem:$0x3FB1] =	sst s9;
	s0 =	simm.s32 @!p0 $0x0  }
0x12: {  	s1 =	sld [smem:$0x3F97];
	s0 =	simm.s32 @p0 $0x1  }
0x13: {  	[smem:$0x3FB2] =	sst s0;
	s0 =	simm.s32 @!p1 $0x0  }
0x14: {  	s2 =	sld [smem:$0x3F96];
	s0 =	simm.s32 @p1 $0x1  }
0x15: {  	[smem:$0x3FB3] =	sst s0;
	s0 =	simm.s32 @!p2 $0x0  }
0x16: {  	s3 =	sld [smem:$0x3FDB];
	s0 =	simm.s32 @p2 $0x1  }
0x17: {  	s4 =	simm.s32 $0x1BF5;
	[smem:$0x3FB5] =	sst s0  }
0x18: {  	s0 =	sld [smem:$0x3F98];
	_ =	swait.ge [sflag:s4], $0x0  }
0x19: {  	s7 =	sld [smem:$0x3F99]  }
0x1a: {  	s8 =	sadd.s32 $0xFFFFE003, lr  }
0x1b: {  	s9 =	sadd.s32 $0xFFFFFEF7, lr;
	s5 =	simm.s32 $0xFFFFFFFF;
	p2 =	slt.u32 s8, $0xFFFFF086  }
0x1c: {  	p1 =	slt.u32 s9, $0xF7A;
	s5 =	simm.s32 @!p2 $0x0  }
0x1d: {  	s5 =	simm.s32 @p1 $0x1;
	p0 =	seq.s32 s7, s2  }
0x1e: {  	s7 =	smul.u32 @!p0 $0xF7A, s2;
	p2 =	seq.s32 @!p0 s5, $0x0  }
0x1f: {  	s9 =	smul.u32 $0xF7A, s1;
	s8 =	simm.s32 @!p0 $0x1BF5;
	p2 =	por !p2, p0  }
0x20: {  	[sflag:s8] =	ssyncset.s32 @!p0 $0xFFFFF086;
	s6 =	sadd.s32 @!p0 s3, s7;
	s7 =	simm.s32 @!p0 $0x108  }
0x21: {  	s3 =	sadd.s32 s3, s9;
	s6 =	sadd.s32 @!p0 $0x88, s6;
	s7 =	simm.s32 @p2 $0x1082  }
0x22: {  	[simem:s7], [sflag:s8] =	dma.local @!p0 [hbm:s6], $0xF7A  }
0x23: {  	s9 =	sor.u32 $0xD0000000, s2;
	s6 =	simm.s32 $0x108;
	_ =	swait.ge @!p0 [sflag:s8], $0x0  }
0x24: {  	s3 =	sadd.s32 $0x88, s3;
	s6 =	simm.s32 @!p1 $0x1082;
	[sflag:s4] =	ssyncset.s32 $0xFFFFF086  }
0x25: {  	[simem:s6], [sflag:s4] =	dma.local [hbm:s3], $0xF7A  }
0x26: {  	[smem:$0x3F99] =	sst s1;
	(tag) =	ssettag s2;
	_ =	strace s9  }
0x27: {  	s1 =	sld [smem:$0x3FA9]  }
0x28: {  	s2 =	sld [smem:$0x3FAA]  }
0x29: {  	s4 =	sld [smem:$0x3FAC]  }
0x2a: {  	p0 =	seq.s32 s5, $0x0;
	s5 =	sld [smem:$0x3FAD]  }
0x2b: {  	s6 =	sld [smem:$0x3FAE]  }
0x2c: {  	s7 =	sld [smem:$0x3FAF]  }
0x2d: {  	s3 =	simm.s32 $0x108;
	s8 =	sld [smem:$0x3FB0]  }
0x2e: {  	s3 =	simm.s32 @!p0 $0x1082;
	s9 =	sld [smem:$0x3FB1]  }
0x2f: {  	lr =	sadd.s32 s0, s3;
	s0 =	sld [smem:$0x3FA8]  }
0x30: {  	s3 =	sld [smem:$0x3FAB]  }
0x31: {  	[smem:$0x3FB4] =	sst s10  }
0x32: {  	s10 =	sld [smem:$0x3FB2];
	_ =	sdelay $0x3  }
0x33: {  	p0 =	seq.s32 s10, $0x1;
	s10 =	sld [smem:$0x3FB4];
	_ =	sdelay $0x3  }
0x34: {  	[smem:$0x3FB4] =	sst s10  }
0x35: {  	s10 =	sld [smem:$0x3FB3];
	_ =	sdelay $0x3  }
0x36: {  	p1 =	seq.s32 s10, $0x1;
	s10 =	sld [smem:$0x3FB4];
	_ =	sdelay $0x3  }
0x37: {  	[smem:$0x3FB4] =	sst s10  }
0x38: {  	s10 =	sld [smem:$0x3FB5]  }
0x39: {  	_ = 	snop;
	(pc) =	sbr.ind lr, $3  }
0x3a: {  	_ = 	snop  }
0x3b: {  	_ = 	snop  }
0x3c: {  	p2 =	seq.s32 s10, $0x1;
	s10 =	sld [smem:$0x3FB4]  }
0x3d: {  	_ =	shalt  }
0x3e: {  	_ =	shalt  }
0x3f: {  	_ =	shalt  }
0x40: {  	_ =	shalt  }
0x41: {  	_ =	shalt  }
0x42: {  	_ =	shalt  }
0x43: {  	_ =	shalt  }
0x44: {  	_ =	shalt  }
0x45: {  	_ =	shalt  }
0x46: {  	_ =	shalt  }
0x47: {  	_ =	shalt  }
0x48: {  	_ =	shalt  }
0x49: {  	_ =	shalt  }
0x4a: {  	_ =	shalt  }
0x4b: {  	_ =	shalt  }
0x4c: {  	_ =	shalt  }
0x4d: {  	_ =	shalt  }
0x4e: {  	_ =	shalt  }
0x4f: {  	_ =	shalt  }
0x50: {  	_ =	shalt  }
0x51: {  	_ =	shalt  }
0x52: {  	_ =	shalt  }
0x53: {  	_ =	shalt  }
0x54: {  	_ =	shalt  }
0x55: {  	_ =	shalt  }
0x56: {  	_ =	shalt  }
0x57: {  	_ =	shalt  }
0x58: {  	_ =	shalt  }
0x59: {  	_ =	shalt  }
0x5a: {  	_ =	shalt  }
0x5b: {  	_ =	shalt  }
0x5c: {  	_ =	shalt  }
0x5d: {  	_ =	shalt  }
0x5e: {  	_ =	shalt  }
0x5f: {  	_ =	shalt  }
0x60: {  	_ =	shalt  }
0x61: {  	_ =	shalt  }
0x62: {  	_ =	shalt  }
0x63: {  	_ =	shalt  }
0x64: {  	_ =	shalt  }
0x65: {  	_ =	shalt  }
0x66: {  	_ =	shalt  }
0x67: {  	_ =	shalt  }
0x68: {  	_ =	shalt  }
0x69: {  	_ =	shalt  }
0x6a: {  	_ =	shalt  }
0x6b: {  	_ =	shalt  }
0x6c: {  	_ =	shalt  }
0x6d: {  	_ =	shalt  }
0x6e: {  	_ =	shalt  }
0x6f: {  	_ =	shalt  }
0x70: {  	_ =	shalt  }
0x71: {  	_ =	shalt  }
0x72: {  	_ =	shalt  }
0x73: {  	_ =	shalt  }
0x74: {  	_ =	shalt  }
0x75: {  	_ =	shalt  }
0x76: {  	_ =	shalt  }
0x77: {  	_ =	shalt  }
0x78: {  	_ =	shalt  }
0x79: {  	_ =	shalt  }
0x7a: {  	_ =	shalt  }
0x7b: {  	_ =	shalt  }
0x7c: {  	_ =	shalt  }
0x7d: {  	_ =	shalt  }
0x7e: {  	_ =	shalt  }
0x7f: {  	_ =	shalt  }
0x80: {  	_ =	shalt  }
0x81: {  	_ =	shalt  }
0x82: {  	_ =	shalt  }
0x83: {  	_ =	shalt  }
0x84: {  	_ =	shalt  }
0x85: {  	_ =	shalt  }
0x86: {  	_ =	shalt  }
0x87: {  	_ =	shalt  }
.Lfunc_end0:
.L_simem_size_0:
called_computation.1_lowered:
.L_overlay_start_0:
0x88: {  	s2 =	sld [smem:$0x3FD9]  }
0x89: {  	s3 =	sld [smem:$0x3FFE];
	_ =	sdelay $0x1  }
0x8a: {  	s1 =	srdreg.scid  }
0x8b: {  	s0 =	sand.u32 $0x1, s1  }
0x8c: {  	s16 =	sshll.u32 s0, $0xA;
	s2 =	sadd.s32 s3, s2  }
0x8d: {  	s2 =	sadd.s32 s2, s16  }
0x8e: {  	[smem:$0x3FC0] =	sst s2  }
0x8f: {  	_ = 	snop  }
0x90: {  	(tm) =	ssettm $0x1  }
0x91: {  	s17 =	sld [smem:$0x3FFB];
	_ =	sdelay $0x3  }
0x92: {  	_ =	strace s17  }
0x93: {  	s2 =	sld [smem:$0x3FFC];
	_ =	sdelay $0x3  }
0x94: {  	_ =	strace s2  }
0x95: {  	s2 =	sld [smem:$0x3FFD];
	_ =	sdelay $0x3  }
0x96: {  	_ =	strace s2  }
0x97: {  	_ =	strace $0x8FFFFFFF  }
0x98: {  	s18 =	sld [smem:$0x3FDB];
	_ =	sdelay $0x1  }
0x99: {  	s19 =	simm.s32 $_scs_section_size  }
0x9a: {  	s4 =	simm.s32 $_size__tile_overlayer_lowered;
	s5 =	simm.s32 $_tile_overlayer_lowered  }
0x9b: {  	s22 =	simm.s32 $0x1BFF;
	s21 =	sshll.u32 s5, $0x1;
	s2 =	sadd.s32 s19, s18  }
0x9c: {  	s6 =	simm.s32 $0x0;
	s20 =	sshll.u32 s4, $0x1;
	s4 =	sadd.s32 s21, s2  }
0x9d: {  	[timem:s6], [sflag:s22] =	dma.local [hbm:s4], s20  }
0x9e: {  	_ =	swait.ge [sflag:s22], s20  }
0x9f: {  	s3 =	ssub.s32 $0x0, s20;
	[sflag:s22] =	ssyncset.done $0x0  }
0xa0: {  	[sflag:s22] =	ssyncadd.s32 s3;
	_ =	sdelay $0x1  }
0xa1: {  	s23 =	simm.s32 $0x1B8B  }
0xa2: {  	_ =	swait.ge [sflag:s23], $0x1  }
0xa3: {  	[sflag:s23] =	ssyncset.done $0x0  }
0xa4: {  	s25 =	simm.s32 $0x1B8E;
	s24 =	sld [smem:$0x3FFE];
	[sflag:s23] =	ssyncadd.s32 $0xFFFFFFFF  }
0xa5: {  	s26 =	simm.s32 $execute0_lowered;
	[smem:$0x3FD2] =	sst s25  }
0xa6: {  	s4 =	sshll.u32 s26, $0x1;
	_ =	strace $0x80000049;
	[dreg:$0x1] =	wrdreg $0xFFFFFFFF  }
0xa7: {  	s28 =	simm.s32 $_size_execute0_lowered;
	s2 =	sadd.s32 s2, s4;
	[dreg:$0x0] =	wrdreg $0x0  }
0xa8: {  	s4 =	sshll.u32 s28, $0x1;
	[dreg:$0x2] =	wrdreg s2  }
0xa9: {  	[dreg:$0x3] =	wrdreg s4  }
0xaa: {  	[dreg:$0x4] =	wrdreg $0xC0  }
0xab: {  	_ =	task [dreg:s6], $0x5FFFF  }
0xac: {  	[dreg:$0x1] =	wrdreg $0xFFFFFFFF  }
0xad: {  	[dreg:$0x0] =	wrdreg $0x60  }
0xae: {  	[dreg:$0x2] =	wrdreg s24  }
0xaf: {  	[dreg:$0x3] =	wrdreg $0xA8000  }
0xb0: {  	[dreg:$0x4] =	wrdreg $0x9  }
0xb1: {  	_ =	task.clear_ibuf [dreg:s6], $0x5FFFF;
	_ =	strace $0x90000049  }
0xb2: {  	s29 =	simm.s32 $0x9;
	_ =	strace $0x8000004B  }
0xb3: {  	_ =	swait.ge [sflag:s29], $0x1  }
0xb4: {  	[sflag:s29] =	ssyncadd.s32 $0xFFFFFFFF  }
0xb5: {  	_ =	strace $0x9000004B  }
0xb6: {  	_ =	sfence  }
0xb7: {  	s30 =	sld [smem:$0x0];
	_ =	sdelay $0x2  }
0xb8: {  	s31 =	sshll.u32 s1, $0xD;
	s1 =	sshrl.u32 s1, $0x2  }
0xb9: {  	s3 =	sand.u32 $0x4000, s31;
	s1 =	sadd.s32 s1, s30  }
0xba: {  	s0 =	sor.u32 s3, s0;
	s1 =	sshll.u32 s1, $0x11  }
0xbb: {  	s0 =	sor.u32 s1, s0  }
0xbc: {  	s0 =	sadd.s32 $0x8F2B, s0  }
0xbd: {  	[sflag:s0] =	ssyncadd.remote.s32 $0x1  }
0xbe: {  	_ =	sfence.sel $0xFFFF  }
0xbf: {  	[dreg:$0x0] =	wrdreg $0xFFFFFFFF;
	(pc) =	sbr.abs _section_cstart, $3  }
0xc0: {  	[dreg:$0x1] =	wrdreg $0xFFFFFFFF  }
0xc1: {  	_ =	task.clear_ibuf [dreg:s6], $0x2FFFF;
	_ =	strace $0x9FFFFFFF  }
0xc2: {  	(tm) =	ssettm $0x7FFFFFFF  }
0xc3: {  	_ =	shalt  }
tec
execute0_lowered:
.L_overlay_start_1:
0x0: {  	(tag) =	ssettag $0x1  }
0x1: {  	s5 =	rddreg [dreg:$0x0]  }
0x2: {  	s2 =	rddreg [dreg:$0x1]  }
0x3: {  	s0 =	rddreg [dreg:$0x2];
	s1 =	stileid.u32  }
0x4: {  	s4 =	srdreg.scid;
	s3 =	simm.s32 $0x0;
	s19 =	simm.s32 $0x1  }
0x5: {  	s20 =	simm.s32 $0x2;
	s21 =	simm.s32 $0x2700;
	s6 =	smul.u32 $0x14000, s1  }
0x6: {  	s7 =	sand.u32 $0x1, s4;
	[smem:$0x7FF] =	sst s3;
	s4 =	sadd.s32 $0x34A00, s5  }
0x7: {  	s11 =	sadd.s32 $0x8EA00, s5;
	s12 =	sadd.s32 $0x84A00, s5;
	s13 =	smul.u32 $0x50000, s1  }
0x8: {  	s28 =	sshll.u32 s1, $0x6;
	s8 =	smul.u32 $0x140000, s7;
	_ =	strace $0x8000004A  }
0x9: {  	s23 =	sshll.u32 s7, $0x4;
	s10 =	ssub.s32 $0x2, s7;
	s26 =	smul.u32 $0x50000, s7  }
0xa: {  	s9 =	sshrl.u32 s6, $0x3;
	s24 =	sshrl.u32 s10, $0x1;
	s25 =	sshrl.u32 s13, $0x2  }
0xb: {  	s6 =	sadd.s32 s6, s8;
	s22 =	sadd.s32 s9, s5;
	s9 =	sor.u32 s1, s23  }
0xc: {  	s10 =	ssub.s32 s10, s24;
	s16 =	sadd.s32 s25, s2;
	s15 =	smul.u32 $0x28, s9  }
0xd: {  	s23 =	simm.s32 $0x0;
	s6 =	sshrl.u32 s6, $0x3;
	s17 =	smul.u32 $0x2800, s9  }
0xe: {  	s18 =	smul.u32 $0x500, s9;
	s8 =	smax.u32 s10, $0x1;
	s14 =	sadd.s32 s6, s5  }
0xf: {  	s5 =	sadd.s32 $0xCA00, s22;
	s6 =	sor.u32 $0x1C03, s28;
	s22 =	simm.s32 $0x2780  }
0x10: {  	s15 =	sadd.s32 $0x14, s15;
	s7 =	sadd.s32 $0xA2A00, s14;
	s29 =	sadd.s32 s26, s17  }
0x11: {  	s10 =	sadd.s32 s12, s18;
	s14 =	simm.s32 $0x3;
	s18 =	simm.s32 $0x6800  }
0x12: {  	s30 =	sshll.u32 s15, $0x8;
	s17 =	sshrl.u32 s29, $0x3;
	s31 =	sshll.u32 s15, $0x5  }
0x13: {  	s15 =	simm.s32 $0x1400;
	s13 =	sadd.s32 s26, s30;
	s9 =	sadd.s32 s11, s17  }
0x14: {  	s12 =	sadd.s32 s12, s31;
	s17 =	simm.s32 $0x2800;
	s13 =	sshrl.u32 s13, $0x3  }
0x15: {  	s11 =	sadd.s32 s11, s13;
	s13 =	sshrl.u32 s16, $0x3;
	s16 =	simm.s32 $0x80  }
.LBB2_1:
0x16: {  	[spmem:s13], [sflag:s6] =	dma.local [hbm:s5], $0x2800  }
0x17: {  	_ =	swait.ge [sflag:s14], $0x2800  }
0x18: {  	[sflag:s14] =	ssyncset.done $0x0  }
0x19: {  	[sflag:s14] =	ssyncadd.s32 $0xFFFFD800  }
0x1a: {  	[bflag:$0x0] =	sbarrier.arrive $0xFFFF  }
0x1b: {  	[tilespmem:s3], [sflag:$0x3] =	stream.linear.gather [hbm4b:s9+s3], $0x1400, $0x38;
	[tilespmem:$0x1E800] =	vst v63  }
0x1c: {  	_ =	swait.ge [sflag:s14], $0x1400  }
0x1d: {  	[sflag:s14] =	ssyncset.done $0x0  }
0x1e: {  	[sflag:s14] =	ssyncadd.s32 $0xFFFFEC00  }
0x1f: {  	[tilespmem:s15], [sflag:$0x3] =	stream.linear.gather [hbm4b:s10+s3], $0x1400, $0x38;
	[tilespmem:$0x1E800] =	vst v63  }
0x20: {  	_ =	swait.ge [sflag:s14], $0x1400  }
0x21: {  	[sflag:s14] =	ssyncset.done $0x0  }
0x22: {  	[sflag:s14] =	ssyncadd.s32 $0xFFFFEC00  }
0x23: {  	[tilespmem:s17], [sflag:$0x1] =	stream.indirect.gather [hbm4b:s4+s16], $0x80, s3, s16, $0xb8;
	[tilespmem:$0x1E800] =	vst v63  }
0x24: {  	_ = 	snop  }
0x25: {  	[tilespmem:s18], [sflag:$0x2] =	stream.indirect.gather [hbm4b:s4+s16], $0x80, s16, s16, $0xb8;
	[tilespmem:$0x1E800] =	vst v63  }
0x26: {  	_ =	swait.ge [sflag:s19], $0x4000  }
0x27: {  	[sflag:s19] =	ssyncset.done $0x0  }
0x28: {  	s24 =	simm.s32 $0x1400;
	[sflag:s19] =	ssyncadd.s32 $0xFFFFC000  }
0x29: {  	[spmem:s2] =	stream.indirect.scatter.add.f32 [tilespmem:s17], [sflag:$0x3], $0x80, s24, s16, $0xb8;
	[tilespmem:$0x1E800] =	vst v63  }
0x2a: {  	_ =	swait.ge [sflag:s14], $0x4000  }
0x2b: {  	[sflag:s14] =	ssyncset.done $0x0  }
0x2c: {  	s30 =	simm.s32 $0x100;
	[sflag:s14] =	ssyncadd.s32 $0xFFFFC000  }
0x2d: {  	[tilespmem:s17], [sflag:$0x1] =	stream.indirect.gather [hbm4b:s4+s16], $0x80, s30, s16, $0xb8;
	[tilespmem:$0x1E800] =	vst v63  }
0x2e: {  	_ =	swait.ge [sflag:s20], $0x4000  }
0x2f: {  	[sflag:s20] =	ssyncset.done $0x0  }
0x30: {  	s31 =	simm.s32 $0x1480;
	[sflag:s20] =	ssyncadd.s32 $0xFFFFC000  }
0x31: {  	[spmem:s2] =	stream.indirect.scatter.add.f32 [tilespmem:s18], [sflag:$0x3], $0x80, s31, s16, $0xb8;
	[tilespmem:$0x1E800] =	vst v63  }
0x32: {  	_ =	swait.ge [sflag:s14], $0x4000  }
0x33: {  	[sflag:s14] =	ssyncset.done $0x0  }
0x34: {  	s25 =	simm.s32 $0x180;
	s24 =	simm.s32 $0x400;
	[sflag:s14] =	ssyncadd.s32 $0xFFFFC000  }
.LBB2_2:
0x35: {  	[tilespmem:s18], [sflag:$0x2] =	stream.indirect.gather [hbm4b:s4+s16], $0x80, s25, s16, $0xb8;
	[tilespmem:$0x1E800] =	vst v63  }
0x36: {  	s25 =	smov.u32 s24  }
0x37: {  	p0 =	sne.s32 s24, $0x4800;
	s24 =	sadd.s32 $0x400, s24;
	_ =	swait.ge [sflag:s19], $0x4000  }
0x38: {  	s25 =	sshra.s32 s25, $0x2;
	[sflag:s19] =	ssyncset.done $0x0  }
0x39: {  	s26 =	sadd.s32 $0x1400, s25;
	[sflag:s19] =	ssyncadd.s32 $0xFFFFC000  }
0x3a: {  	[spmem:s2] =	stream.indirect.scatter.add.f32 [tilespmem:s17], [sflag:$0x3], $0x80, s26, s16, $0xb8;
	[tilespmem:$0x1E800] =	vst v63  }
0x3b: {  	_ =	swait.ge [sflag:s14], $0x4000  }
0x3c: {  	[sflag:s14] =	ssyncset.done $0x0  }
0x3d: {  	s26 =	sadd.s32 $0x100, s25;
	[sflag:s14] =	ssyncadd.s32 $0xFFFFC000  }
0x3e: {  	[tilespmem:s17], [sflag:$0x1] =	stream.indirect.gather [hbm4b:s4+s16], $0x80, s26, s16, $0xb8;
	[tilespmem:$0x1E800] =	vst v63  }
0x3f: {  	_ =	swait.ge [sflag:s20], $0x4000  }
0x40: {  	[sflag:s20] =	ssyncset.done $0x0  }
.Ltmp0:
0x41: {  	s26 =	sadd.s32 $0x1480, s25;
	[sflag:s20] =	ssyncadd.s32 $0xFFFFC000;
	(pc) =	sbr.rel @p0 .LBB2_2-.Ltmp0, $4  }
0x42: {  	[spmem:s2] =	stream.indirect.scatter.add.f32 [tilespmem:s18], [sflag:$0x3], $0x80, s26, s16, $0xb8;
	[tilespmem:$0x1E800] =	vst v63  }
0x43: {  	_ =	swait.ge [sflag:s14], $0x4000  }
0x44: {  	[sflag:s14] =	ssyncset.done $0x0  }
0x45: {  	s25 =	sadd.s32 $0x180, s25;
	[sflag:s14] =	ssyncadd.s32 $0xFFFFC000  }
0x46: {  	[tilespmem:s18], [sflag:$0x2] =	stream.indirect.gather [hbm4b:s4+s16], $0x80, s25, s16, $0xb8;
	[tilespmem:$0x1E800] =	vst v63  }
0x47: {  	_ =	swait.ge [sflag:s19], $0x4000  }
0x48: {  	[sflag:s19] =	ssyncset.done $0x0  }
0x49: {  	[sflag:s19] =	ssyncadd.s32 $0xFFFFC000  }
0x4a: {  	[spmem:s2] =	stream.indirect.scatter.add.f32 [tilespmem:s17], [sflag:$0x3], $0x80, s21, s16, $0xb8;
	[tilespmem:$0x1E800] =	vst v63  }
0x4b: {  	_ =	swait.ge [sflag:s14], $0x4000  }
0x4c: {  	[sflag:s14] =	ssyncset.done $0x0  }
0x4d: {  	[sflag:s14] =	ssyncadd.s32 $0xFFFFC000  }
0x4e: {  	_ =	swait.ge [sflag:s20], $0x4000  }
0x4f: {  	[sflag:s20] =	ssyncset.done $0x0  }
0x50: {  	[sflag:s20] =	ssyncadd.s32 $0xFFFFC000  }
0x51: {  	[spmem:s2] =	stream.indirect.scatter.add.f32 [tilespmem:s18], [sflag:$0x3], $0x80, s22, s16, $0xb8;
	[tilespmem:$0x1E800] =	vst v63  }
0x52: {  	_ =	swait.ge [sflag:s14], $0x4000  }
0x53: {  	[sflag:s14] =	ssyncset.done $0x0  }
0x54: {  	s24 =	simm.s32 $0x0;
	[sflag:s14] =	ssyncadd.s32 $0xFFFFC000  }
0x55: {  	[tilespmem:s24], [sflag:$0x3] =	stream.linear.gather [hbm4b:s11+s24], $0x1400, $0x38;
	[tilespmem:$0x1E800] =	vst v63  }
0x56: {  	_ =	swait.ge [sflag:s14], $0x1400  }
0x57: {  	[sflag:s14] =	ssyncset.done $0x0  }
0x58: {  	[sflag:s14] =	ssyncadd.s32 $0xFFFFEC00  }
0x59: {  	[tilespmem:s15], [sflag:$0x3] =	stream.linear.gather [hbm4b:s12+s24], $0x1400, $0x38;
	[tilespmem:$0x1E800] =	vst v63  }
0x5a: {  	_ =	swait.ge [sflag:s14], $0x1400  }
0x5b: {  	[sflag:s14] =	ssyncset.done $0x0  }
0x5c: {  	[sflag:s14] =	ssyncadd.s32 $0xFFFFEC00  }
0x5d: {  	[tilespmem:s17], [sflag:$0x1] =	stream.indirect.gather [hbm4b:s4+s16], $0x80, s24, s16, $0xb8;
	[tilespmem:$0x1E800] =	vst v63  }
0x5e: {  	_ = 	snop  }
0x5f: {  	[tilespmem:s18], [sflag:$0x2] =	stream.indirect.gather [hbm4b:s4+s16], $0x80, s16, s16, $0xb8;
	[tilespmem:$0x1E800] =	vst v63  }
0x60: {  	_ =	swait.ge [sflag:s19], $0x4000  }
0x61: {  	[sflag:s19] =	ssyncset.done $0x0  }
0x62: {  	s29 =	simm.s32 $0x1400;
	[sflag:s19] =	ssyncadd.s32 $0xFFFFC000  }
0x63: {  	[spmem:s2] =	stream.indirect.scatter.add.f32 [tilespmem:s17], [sflag:$0x3], $0x80, s29, s16, $0xb8;
	[tilespmem:$0x1E800] =	vst v63  }
0x64: {  	_ =	swait.ge [sflag:s14], $0x4000  }
0x65: {  	[sflag:s14] =	ssyncset.done $0x0  }
0x66: {  	s30 =	simm.s32 $0x100;
	[sflag:s14] =	ssyncadd.s32 $0xFFFFC000  }
0x67: {  	[tilespmem:s17], [sflag:$0x1] =	stream.indirect.gather [hbm4b:s4+s16], $0x80, s30, s16, $0xb8;
	[tilespmem:$0x1E800] =	vst v63  }
0x68: {  	_ =	swait.ge [sflag:s20], $0x4000  }
0x69: {  	[sflag:s20] =	ssyncset.done $0x0  }
0x6a: {  	s31 =	simm.s32 $0x1480;
	[sflag:s20] =	ssyncadd.s32 $0xFFFFC000  }
0x6b: {  	[spmem:s2] =	stream.indirect.scatter.add.f32 [tilespmem:s18], [sflag:$0x3], $0x80, s31, s16, $0xb8;
	[tilespmem:$0x1E800] =	vst v63  }
0x6c: {  	_ =	swait.ge [sflag:s14], $0x4000  }
0x6d: {  	[sflag:s14] =	ssyncset.done $0x0  }
0x6e: {  	s25 =	simm.s32 $0x180;
	s24 =	simm.s32 $0x400;
	[sflag:s14] =	ssyncadd.s32 $0xFFFFC000  }
.LBB2_4:
0x6f: {  	[tilespmem:s18], [sflag:$0x2] =	stream.indirect.gather [hbm4b:s4+s16], $0x80, s25, s16, $0xb8;
	[tilespmem:$0x1E800] =	vst v63  }
0x70: {  	s25 =	smov.u32 s24  }
0x71: {  	p0 =	sne.s32 s24, $0x4800;
	s24 =	sadd.s32 $0x400, s24;
	_ =	swait.ge [sflag:s19], $0x4000  }
0x72: {  	s25 =	sshra.s32 s25, $0x2;
	[sflag:s19] =	ssyncset.done $0x0  }
0x73: {  	s26 =	sadd.s32 $0x1400, s25;
	[sflag:s19] =	ssyncadd.s32 $0xFFFFC000  }
0x74: {  	[spmem:s2] =	stream.indirect.scatter.add.f32 [tilespmem:s17], [sflag:$0x3], $0x80, s26, s16, $0xb8;
	[tilespmem:$0x1E800] =	vst v63  }
0x75: {  	_ =	swait.ge [sflag:s14], $0x4000  }
0x76: {  	[sflag:s14] =	ssyncset.done $0x0  }
0x77: {  	s26 =	sadd.s32 $0x100, s25;
	[sflag:s14] =	ssyncadd.s32 $0xFFFFC000  }
0x78: {  	[tilespmem:s17], [sflag:$0x1] =	stream.indirect.gather [hbm4b:s4+s16], $0x80, s26, s16, $0xb8;
	[tilespmem:$0x1E800] =	vst v63  }
0x79: {  	_ =	swait.ge [sflag:s20], $0x4000  }
0x7a: {  	[sflag:s20] =	ssyncset.done $0x0  }
.Ltmp1:
0x7b: {  	s26 =	sadd.s32 $0x1480, s25;
	[sflag:s20] =	ssyncadd.s32 $0xFFFFC000;
	(pc) =	sbr.rel @p0 .LBB2_4-.Ltmp1, $4  }
0x7c: {  	[spmem:s2] =	stream.indirect.scatter.add.f32 [tilespmem:s18], [sflag:$0x3], $0x80, s26, s16, $0xb8;
	[tilespmem:$0x1E800] =	vst v63  }
0x7d: {  	_ =	swait.ge [sflag:s14], $0x4000  }
0x7e: {  	[sflag:s14] =	ssyncset.done $0x0  }
0x7f: {  	s25 =	sadd.s32 $0x180, s25;
	[sflag:s14] =	ssyncadd.s32 $0xFFFFC000  }
0x80: {  	[tilespmem:s18], [sflag:$0x2] =	stream.indirect.gather [hbm4b:s4+s16], $0x80, s25, s16, $0xb8;
	[tilespmem:$0x1E800] =	vst v63  }
0x81: {  	_ =	swait.ge [sflag:s19], $0x4000  }
0x82: {  	[sflag:s19] =	ssyncset.done $0x0  }
0x83: {  	[sflag:s19] =	ssyncadd.s32 $0xFFFFC000  }
0x84: {  	[spmem:s2] =	stream.indirect.scatter.add.f32 [tilespmem:s17], [sflag:$0x3], $0x80, s21, s16, $0xb8;
	[tilespmem:$0x1E800] =	vst v63  }
0x85: {  	_ =	swait.ge [sflag:s14], $0x4000  }
0x86: {  	[sflag:s14] =	ssyncset.done $0x0  }
0x87: {  	[sflag:s14] =	ssyncadd.s32 $0xFFFFC000  }
0x88: {  	_ =	swait.ge [sflag:s20], $0x4000  }
0x89: {  	[sflag:s20] =	ssyncset.done $0x0  }
0x8a: {  	[sflag:s20] =	ssyncadd.s32 $0xFFFFC000  }
0x8b: {  	[spmem:s2] =	stream.indirect.scatter.add.f32 [tilespmem:s18], [sflag:$0x3], $0x80, s22, s16, $0xb8;
	[tilespmem:$0x1E800] =	vst v63  }
0x8c: {  	_ =	swait.ge [sflag:s14], $0x4000  }
0x8d: {  	s23 =	sadd.s32 $0x1, s23;
	[sflag:s14] =	ssyncset.done $0x0  }
0x8e: {  	p0 =	sne.s32 s23, s8;
	[sflag:s14] =	ssyncadd.s32 $0xFFFFC000  }
.Ltmp2:
0x8f: {  	[bflag:$0x0] =	sbarrier.arrive $0xFFFF;
	(pc) =	sbr.rel @p0 .LBB2_1-.Ltmp2, $4  }
0x90: {  	[hbm:s7], [sflag:s6] =	dma.local [spmem:s13], $0x2800  }
0x91: {  	_ =	swait.ge [sflag:s14], $0x2800  }
0x92: {  	[sflag:s14] =	ssyncset.done $0x0  }
0x93: {  	[sflag:s14] =	ssyncadd.s32 $0xFFFFD800  }
0x94: {  	_ =	sfence.sel $0x180000  }
0x95: {  	[bflag:$0x0] =	sbarrier.arrive $0xFFFF  }
0x96: {  	p0 =	sne.s32 s1, $0x0;
	_ =	strace $0x9000004A  }
0x97: {  	s0 =	sadd.s32 @!p0 $0x100000, s0;
	[bflag:$0x2] =	sbarrier.arrive $0xFFFF  }
0x98: {  	[sflag:s0] =	ssyncadd.tile.s32 @!p0 $0x1;
	_ =	shalt  }
.Lfunc_end2:
_tile_overlayer_lowered:
.L_overlay_start_2:
0x99: {  	(tag) =	ssettag $0x2  }
0x9a: {  	s0 =	rddreg [dreg:$0x0];
	s2 =	stileid.u32  }
0x9b: {  	s1 =	rddreg [dreg:$0x1];
	p0 =	sne.s32 s2, $0x0  }
0x9c: {  	s3 =	rddreg [dreg:$0x2];
	[bflag:$0x3] =	sbarrier.arrive $0xFFFF;
	s2 =	simm.s32 @!p0 $0x1C03  }
0x9d: {  	[timem:s3], [sflag:s2] =	dma.local @!p0 [hbm:s0], s1  }
0x9e: {  	s0 =	simm.s32 @!p0 $0x3  }
0x9f: {  	_ =	swait.ge @!p0 [sflag:s0], s1  }
0xa0: {  	s1 =	ssub.s32 @!p0 $0x0, s1;
	[sflag:s0] =	ssyncset.done @!p0 $0x0  }
0xa1: {  	[sflag:s0] =	ssyncadd.s32 @!p0 s1  }
0xa2: {  	[bflag:$0x3] =	sbarrier.arrive $0xFFFF  }
0xa3: {  	_ =	shalt  }

// kernel: kernel.14.cloned.1.call-start
scs
__scs_entry_jumppad:
0x0: {  	(pc) =	sbr.rel $0x88, $3  }
0x1: {  	(tag) =	ssettag $0x0;
	lr =	simm.s32 $0x1  }
0x2: {  	[smem:$0x3F99] =	sst lr;
	_ =	strace $0xD0000000  }
0x3: {  	_ = 	snop  }
0x4: {  	_ = 	snop  }
0x5: {  	_ = 	snop  }
0x6: {  	_ = 	snop  }
0x7: {  	_ = 	snop  }
__scs_overlays_trampoline_lowered:
0x8: {  	[smem:$0x3FA8] =	sst s0  }
0x9: {  	[smem:$0x3FA9] =	sst s1  }
0xa: {  	[smem:$0x3FAA] =	sst s2  }
0xb: {  	[smem:$0x3FAB] =	sst s3  }
0xc: {  	[smem:$0x3FAC] =	sst s4  }
0xd: {  	[smem:$0x3FAD] =	sst s5  }
0xe: {  	[smem:$0x3FAE] =	sst s6  }
0xf: {  	[smem:$0x3FAF] =	sst s7  }
0x10: {  	[smem:$0x3FB0] =	sst s8  }
0x11: {  	[smem:$0x3FB1] =	sst s9;
	s0 =	simm.s32 @!p0 $0x0  }
0x12: {  	s1 =	sld [smem:$0x3F97];
	s0 =	simm.s32 @p0 $0x1  }
0x13: {  	[smem:$0x3FB2] =	sst s0;
	s0 =	simm.s32 @!p1 $0x0  }
0x14: {  	s2 =	sld [smem:$0x3F96];
	s0 =	simm.s32 @p1 $0x1  }
0x15: {  	[smem:$0x3FB3] =	sst s0;
	s0 =	simm.s32 @!p2 $0x0  }
0x16: {  	s3 =	sld [smem:$0x3FDB];
	s0 =	simm.s32 @p2 $0x1  }
0x17: {  	s4 =	simm.s32 $0x1BF5;
	[smem:$0x3FB5] =	sst s0  }
0x18: {  	s0 =	sld [smem:$0x3F98];
	_ =	swait.ge [sflag:s4], $0x0  }
0x19: {  	s7 =	sld [smem:$0x3F99]  }
0x1a: {  	s8 =	sadd.s32 $0xFFFFE003, lr  }
0x1b: {  	s9 =	sadd.s32 $0xFFFFFEF7, lr;
	s5 =	simm.s32 $0xFFFFFFFF;
	p2 =	slt.u32 s8, $0xFFFFF086  }
0x1c: {  	p1 =	slt.u32 s9, $0xF7A;
	s5 =	simm.s32 @!p2 $0x0  }
0x1d: {  	s5 =	simm.s32 @p1 $0x1;
	p0 =	seq.s32 s7, s2  }
0x1e: {  	s7 =	smul.u32 @!p0 $0xF7A, s2;
	p2 =	seq.s32 @!p0 s5, $0x0  }
0x1f: {  	s9 =	smul.u32 $0xF7A, s1;
	s8 =	simm.s32 @!p0 $0x1BF5;
	p2 =	por !p2, p0  }
0x20: {  	[sflag:s8] =	ssyncset.s32 @!p0 $0xFFFFF086;
	s6 =	sadd.s32 @!p0 s3, s7;
	s7 =	simm.s32 @!p0 $0x108  }
0x21: {  	s3 =	sadd.s32 s3, s9;
	s6 =	sadd.s32 @!p0 $0x88, s6;
	s7 =	simm.s32 @p2 $0x1082  }
0x22: {  	[simem:s7], [sflag:s8] =	dma.local @!p0 [hbm:s6], $0xF7A  }
0x23: {  	s9 =	sor.u32 $0xD0000000, s2;
	s6 =	simm.s32 $0x108;
	_ =	swait.ge @!p0 [sflag:s8], $0x0  }
0x24: {  	s3 =	sadd.s32 $0x88, s3;
	s6 =	simm.s32 @!p1 $0x1082;
	[sflag:s4] =	ssyncset.s32 $0xFFFFF086  }
0x25: {  	[simem:s6], [sflag:s4] =	dma.local [hbm:s3], $0xF7A  }
0x26: {  	[smem:$0x3F99] =	sst s1;
	(tag) =	ssettag s2;
	_ =	strace s9  }
0x27: {  	s1 =	sld [smem:$0x3FA9]  }
0x28: {  	s2 =	sld [smem:$0x3FAA]  }
0x29: {  	s4 =	sld [smem:$0x3FAC]  }
0x2a: {  	p0 =	seq.s32 s5, $0x0;
	s5 =	sld [smem:$0x3FAD]  }
0x2b: {  	s6 =	sld [smem:$0x3FAE]  }
0x2c: {  	s7 =	sld [smem:$0x3FAF]  }
0x2d: {  	s3 =	simm.s32 $0x108;
	s8 =	sld [smem:$0x3FB0]  }
0x2e: {  	s3 =	simm.s32 @!p0 $0x1082;
	s9 =	sld [smem:$0x3FB1]  }
0x2f: {  	lr =	sadd.s32 s0, s3;
	s0 =	sld [smem:$0x3FA8]  }
0x30: {  	s3 =	sld [smem:$0x3FAB]  }
0x31: {  	[smem:$0x3FB4] =	sst s10  }
0x32: {  	s10 =	sld [smem:$0x3FB2];
	_ =	sdelay $0x3  }
0x33: {  	p0 =	seq.s32 s10, $0x1;
	s10 =	sld [smem:$0x3FB4];
	_ =	sdelay $0x3  }
0x34: {  	[smem:$0x3FB4] =	sst s10  }
0x35: {  	s10 =	sld [smem:$0x3FB3];
	_ =	sdelay $0x3  }
0x36: {  	p1 =	seq.s32 s10, $0x1;
	s10 =	sld [smem:$0x3FB4];
	_ =	sdelay $0x3  }
0x37: {  	[smem:$0x3FB4] =	sst s10  }
0x38: {  	s10 =	sld [smem:$0x3FB5]  }
0x39: {  	_ = 	snop;
	(pc) =	sbr.ind lr, $3  }
0x3a: {  	_ = 	snop  }
0x3b: {  	_ = 	snop  }
0x3c: {  	p2 =	seq.s32 s10, $0x1;
	s10 =	sld [smem:$0x3FB4]  }
0x3d: {  	_ =	shalt  }
0x3e: {  	_ =	shalt  }
0x3f: {  	_ =	shalt  }
0x40: {  	_ =	shalt  }
0x41: {  	_ =	shalt  }
0x42: {  	_ =	shalt  }
0x43: {  	_ =	shalt  }
0x44: {  	_ =	shalt  }
0x45: {  	_ =	shalt  }
0x46: {  	_ =	shalt  }
0x47: {  	_ =	shalt  }
0x48: {  	_ =	shalt  }
0x49: {  	_ =	shalt  }
0x4a: {  	_ =	shalt  }
0x4b: {  	_ =	shalt  }
0x4c: {  	_ =	shalt  }
0x4d: {  	_ =	shalt  }
0x4e: {  	_ =	shalt  }
0x4f: {  	_ =	shalt  }
0x50: {  	_ =	shalt  }
0x51: {  	_ =	shalt  }
0x52: {  	_ =	shalt  }
0x53: {  	_ =	shalt  }
0x54: {  	_ =	shalt  }
0x55: {  	_ =	shalt  }
0x56: {  	_ =	shalt  }
0x57: {  	_ =	shalt  }
0x58: {  	_ =	shalt  }
0x59: {  	_ =	shalt  }
0x5a: {  	_ =	shalt  }
0x5b: {  	_ =	shalt  }
0x5c: {  	_ =	shalt  }
0x5d: {  	_ =	shalt  }
0x5e: {  	_ =	shalt  }
0x5f: {  	_ =	shalt  }
0x60: {  	_ =	shalt  }
0x61: {  	_ =	shalt  }
0x62: {  	_ =	shalt  }
0x63: {  	_ =	shalt  }
0x64: {  	_ =	shalt  }
0x65: {  	_ =	shalt  }
0x66: {  	_ =	shalt  }
0x67: {  	_ =	shalt  }
0x68: {  	_ =	shalt  }
0x69: {  	_ =	shalt  }
0x6a: {  	_ =	shalt  }
0x6b: {  	_ =	shalt  }
0x6c: {  	_ =	shalt  }
0x6d: {  	_ =	shalt  }
0x6e: {  	_ =	shalt  }
0x6f: {  	_ =	shalt  }
0x70: {  	_ =	shalt  }
0x71: {  	_ =	shalt  }
0x72: {  	_ =	shalt  }
0x73: {  	_ =	shalt  }
0x74: {  	_ =	shalt  }
0x75: {  	_ =	shalt  }
0x76: {  	_ =	shalt  }
0x77: {  	_ =	shalt  }
0x78: {  	_ =	shalt  }
0x79: {  	_ =	shalt  }
0x7a: {  	_ =	shalt  }
0x7b: {  	_ =	shalt  }
0x7c: {  	_ =	shalt  }
0x7d: {  	_ =	shalt  }
0x7e: {  	_ =	shalt  }
0x7f: {  	_ =	shalt  }
0x80: {  	_ =	shalt  }
0x81: {  	_ =	shalt  }
0x82: {  	_ =	shalt  }
0x83: {  	_ =	shalt  }
0x84: {  	_ =	shalt  }
0x85: {  	_ =	shalt  }
0x86: {  	_ =	shalt  }
0x87: {  	_ =	shalt  }
.Lfunc_end0:
.L_simem_size_0:
called_computation.2_lowered:
.L_overlay_start_0:
0x88: {  	s2 =	sld [smem:$0x3FD9]  }
0x89: {  	s3 =	sld [smem:$0x3FFE];
	_ =	sdelay $0x1  }
0x8a: {  	s1 =	srdreg.scid  }
0x8b: {  	s0 =	sand.u32 $0x1, s1  }
0x8c: {  	s17 =	sshll.u32 s0, $0xA;
	s2 =	sadd.s32 s3, s2  }
0x8d: {  	s2 =	sadd.s32 s2, s17  }
0x8e: {  	[smem:$0x3FC0] =	sst s2  }
0x8f: {  	_ = 	snop  }
0x90: {  	s2 =	sld [smem:$0x3FD0];
	(tm) =	ssettm $0x1  }
0x91: {  	s18 =	sld [smem:$0x3FFB];
	_ =	sdelay $0x3  }
0x92: {  	_ =	strace s18  }
0x93: {  	s3 =	sld [smem:$0x3FFC];
	_ =	sdelay $0x3  }
0x94: {  	_ =	strace s3  }
0x95: {  	s3 =	sld [smem:$0x3FFD];
	_ =	sdelay $0x3  }
0x96: {  	_ =	strace s3  }
0x97: {  	_ =	strace $0x8FFFFFFF  }
0x98: {  	s19 =	sld [smem:$0x3FDB];
	_ =	sdelay $0x1  }
0x99: {  	s4 =	simm.s32 $_scs_section_size  }
0x9a: {  	s5 =	simm.s32 $_size__tile_overlayer_lowered;
	s6 =	simm.s32 $_tile_overlayer_lowered  }
0x9b: {  	s22 =	simm.s32 $0x1BFF;
	s21 =	sshll.u32 s6, $0x1;
	s3 =	sadd.s32 s4, s19  }
0x9c: {  	s7 =	simm.s32 $0x0;
	s20 =	sshll.u32 s5, $0x1;
	s5 =	sadd.s32 s21, s3  }
0x9d: {  	[timem:s7], [sflag:s22] =	dma.local [hbm:s5], s20  }
0x9e: {  	_ =	swait.ge [sflag:s22], s20  }
0x9f: {  	s4 =	ssub.s32 $0x0, s20;
	[sflag:s22] =	ssyncset.done $0x0  }
0xa0: {  	[sflag:s22] =	ssyncadd.s32 s4;
	_ =	sdelay $0x1  }
0xa1: {  	s23 =	simm.s32 $0x1B8B  }
0xa2: {  	_ =	swait.ge [sflag:s23], $0x1  }
0xa3: {  	[sflag:s23] =	ssyncset.done $0x0  }
0xa4: {  	s25 =	simm.s32 $0x1B8E;
	s24 =	sld [smem:$0x3FFE];
	[sflag:s23] =	ssyncadd.s32 $0xFFFFFFFF  }
0xa5: {  	s26 =	simm.s32 $execute0_lowered;
	[smem:$0x3FD2] =	sst s25  }
0xa6: {  	s5 =	sshll.u32 s26, $0x1;
	_ =	strace $0x8000004C;
	[dreg:$0x1] =	wrdreg $0xFFFFFFFF  }
0xa7: {  	s28 =	simm.s32 $_size_execute0_lowered;
	s3 =	sadd.s32 s3, s5;
	[dreg:$0x0] =	wrdreg $0x0  }
0xa8: {  	s5 =	sshll.u32 s28, $0x1;
	[dreg:$0x2] =	wrdreg s3  }
0xa9: {  	[dreg:$0x3] =	wrdreg s5  }
0xaa: {  	[dreg:$0x4] =	wrdreg $0xC0  }
0xab: {  	_ =	task [dreg:s7], $0x5FFFF  }
0xac: {  	[dreg:$0x1] =	wrdreg $0xFFFFFFFF  }
0xad: {  	[dreg:$0x0] =	wrdreg $0x60  }
0xae: {  	[dreg:$0x2] =	wrdreg s24  }
0xaf: {  	[dreg:$0x3] =	wrdreg s2  }
0xb0: {  	[dreg:$0x4] =	wrdreg $0xA8000  }
0xb1: {  	[dreg:$0x5] =	wrdreg $0x9  }
0xb2: {  	_ =	task.clear_ibuf [dreg:s7], $0x6FFFF;
	_ =	strace $0x9000004C  }
0xb3: {  	s29 =	simm.s32 $0x9;
	_ =	strace $0x8000004E  }
0xb4: {  	_ =	swait.ge [sflag:s29], $0x1  }
0xb5: {  	[sflag:s29] =	ssyncadd.s32 $0xFFFFFFFF  }
0xb6: {  	_ =	strace $0x9000004E  }
0xb7: {  	_ =	sfence  }
0xb8: {  	s30 =	sld [smem:$0x0];
	_ =	sdelay $0x2  }
0xb9: {  	s31 =	sshll.u32 s1, $0xD;
	s1 =	sshrl.u32 s1, $0x2  }
0xba: {  	s3 =	sand.u32 $0x4000, s31;
	s1 =	sadd.s32 s1, s30  }
0xbb: {  	s0 =	sor.u32 s3, s0;
	s1 =	sshll.u32 s1, $0x11  }
0xbc: {  	s0 =	sor.u32 s1, s0  }
0xbd: {  	s0 =	sadd.s32 $0x8F2B, s0  }
0xbe: {  	[sflag:s0] =	ssyncadd.remote.s32 $0x1  }
0xbf: {  	_ =	sfence.sel $0xFFFF  }
0xc0: {  	[dreg:$0x0] =	wrdreg $0xFFFFFFFF;
	(pc) =	sbr.abs _section_cstart, $3  }
0xc1: {  	[dreg:$0x1] =	wrdreg $0xFFFFFFFF  }
0xc2: {  	_ =	task.clear_ibuf [dreg:s7], $0x2FFFF;
	_ =	strace $0x9FFFFFFF  }
0xc3: {  	(tm) =	ssettm $0x7FFFFFFF  }
tec
execute0_lowered:
.L_overlay_start_1:
0x0: {  	(tag) =	ssettag $0x1  }
0x1: {  	s7 =	rddreg [dreg:$0x0]  }
0x2: {  	s2 =	rddreg [dreg:$0x1]  }
0x3: {  	s3 =	rddreg [dreg:$0x2]  }
0x4: {  	s0 =	rddreg [dreg:$0x3];
	s4 =	simm.s32 $0x0;
	s1 =	stileid.u32  }
0x5: {  	s5 =	srdreg.scid;
	s16 =	simm.s32 $0x80;
	s17 =	simm.s32 $0x2800  }
0x6: {  	s18 =	simm.s32 $0x6800;
	s19 =	simm.s32 $0x1;
	s20 =	simm.s32 $0x2  }
0x7: {  	s21 =	simm.s32 $0x2700;
	s22 =	simm.s32 $0x2780;
	[smem:$0x7FF] =	sst s4  }
0x8: {  	s8 =	smul.u32 $0x14000, s1;
	s10 =	sand.u32 $0x1, s5;
	s5 =	sadd.s32 $0x34A00, s7  }
0x9: {  	s6 =	sadd.s32 $0x84A00, s7;
	s12 =	smul.u32 $0x50000, s1;
	s31 =	sshll.u32 s1, $0x6  }
0xa: {  	_ =	strace $0x8000004D;
	s9 =	smul.u32 $0x140000, s10;
	s29 =	ssub.s32 $0x2, s10  }
0xb: {  	s10 =	smul.u32 $0x50000, s10;
	s11 =	sshrl.u32 s8, $0x3;
	s13 =	sshrl.u32 s29, $0x1  }
0xc: {  	s30 =	sshrl.u32 s12, $0x2;
	s8 =	sadd.s32 s8, s9;
	s11 =	sadd.s32 s11, s7  }
0xd: {  	s13 =	ssub.s32 s29, s13;
	s15 =	sadd.s32 s30, s3;
	s9 =	sor.u32 $0x1C03, s31  }
0xe: {  	s8 =	sshrl.u32 s8, $0x3;
	s12 =	smax.u32 s13, $0x1;
	s13 =	sshrl.u32 s15, $0x3  }
0xf: {  	s15 =	simm.s32 $0x1400;
	s14 =	sadd.s32 s8, s7;
	s7 =	smul.u32 $0x50, s1  }
0x10: {  	s8 =	sadd.s32 $0xCA00, s11;
	s11 =	sadd.s32 $0x8EA00, s14;
	s14 =	simm.s32 $0x3  }
.LBB2_1:
0x11: {  	[spmem:s13], [sflag:s9] =	dma.local [hbm:s8], $0x2800  }
0x12: {  	_ =	swait.ge [sflag:s14], $0x2800  }
0x13: {  	[sflag:s14] =	ssyncset.done $0x0  }
0x14: {  	[sflag:s14] =	ssyncadd.s32 $0xFFFFD800  }
0x15: {  	s23 =	simm.s32 $0x0;
	[bflag:$0x0] =	sbarrier.arrive $0xFFFF  }
.LBB2_2:
0x16: {  	s24 =	smul.u32 $0x14, s23;
	_ =	sdelay $0x1  }
0x17: {  	s24 =	sadd.s32 s7, s24  }
0x18: {  	s25 =	sshll.u32 s24, $0x8  }
0x19: {  	s25 =	sadd.s32 s10, s25  }
0x1a: {  	s25 =	sshrl.u32 s25, $0x3  }
0x1b: {  	s26 =	simm.s32 $0x0;
	s25 =	sadd.s32 s2, s25  }
0x1c: {  	[tilespmem:s26], [sflag:$0x3] =	stream.linear.gather [hbm4b:s25+s26], $0x1400, $0x38;
	[tilespmem:$0x1E800] =	vst v63  }
0x1d: {  	_ =	swait.ge [sflag:s14], $0x1400  }
0x1e: {  	s24 =	sshll.u32 s24, $0x5;
	[sflag:s14] =	ssyncset.done $0x0  }
0x1f: {  	s24 =	sadd.s32 s6, s24;
	[sflag:s14] =	ssyncadd.s32 $0xFFFFEC00  }
0x20: {  	[tilespmem:s15], [sflag:$0x3] =	stream.linear.gather [hbm4b:s24+s26], $0x1400, $0x38;
	[tilespmem:$0x1E800] =	vst v63  }
0x21: {  	_ =	swait.ge [sflag:s14], $0x1400  }
0x22: {  	[sflag:s14] =	ssyncset.done $0x0  }
0x23: {  	[sflag:s14] =	ssyncadd.s32 $0xFFFFEC00  }
0x24: {  	[tilespmem:s17], [sflag:$0x1] =	stream.indirect.gather [hbm4b:s5+s16], $0x80, s26, s16, $0xb8;
	[tilespmem:$0x1E800] =	vst v63  }
0x25: {  	_ = 	snop  }
0x26: {  	[tilespmem:s18], [sflag:$0x2] =	stream.indirect.gather [hbm4b:s5+s16], $0x80, s16, s16, $0xb8;
	[tilespmem:$0x1E800] =	vst v63  }
0x27: {  	_ =	swait.ge [sflag:s19], $0x4000  }
0x28: {  	[sflag:s19] =	ssyncset.done $0x0  }
0x29: {  	s29 =	simm.s32 $0x1400;
	[sflag:s19] =	ssyncadd.s32 $0xFFFFC000  }
0x2a: {  	[spmem:s3] =	stream.indirect.scatter.add.f32 [tilespmem:s17], [sflag:$0x3], $0x80, s29, s16, $0xb8;
	[tilespmem:$0x1E800] =	vst v63  }
0x2b: {  	_ =	swait.ge [sflag:s14], $0x4000  }
0x2c: {  	[sflag:s14] =	ssyncset.done $0x0  }
0x2d: {  	s30 =	simm.s32 $0x100;
	[sflag:s14] =	ssyncadd.s32 $0xFFFFC000  }
0x2e: {  	[tilespmem:s17], [sflag:$0x1] =	stream.indirect.gather [hbm4b:s5+s16], $0x80, s30, s16, $0xb8;
	[tilespmem:$0x1E800] =	vst v63  }
0x2f: {  	_ =	swait.ge [sflag:s20], $0x4000  }
0x30: {  	[sflag:s20] =	ssyncset.done $0x0  }
0x31: {  	s31 =	simm.s32 $0x1480;
	[sflag:s20] =	ssyncadd.s32 $0xFFFFC000  }
0x32: {  	[spmem:s3] =	stream.indirect.scatter.add.f32 [tilespmem:s18], [sflag:$0x3], $0x80, s31, s16, $0xb8;
	[tilespmem:$0x1E800] =	vst v63  }
0x33: {  	_ =	swait.ge [sflag:s14], $0x4000  }
0x34: {  	[sflag:s14] =	ssyncset.done $0x0  }
0x35: {  	s25 =	simm.s32 $0x180;
	s24 =	simm.s32 $0x400;
	[sflag:s14] =	ssyncadd.s32 $0xFFFFC000  }
.LBB2_3:
0x36: {  	[tilespmem:s18], [sflag:$0x2] =	stream.indirect.gather [hbm4b:s5+s16], $0x80, s25, s16, $0xb8;
	[tilespmem:$0x1E800] =	vst v63  }
0x37: {  	s25 =	smov.u32 s24  }
0x38: {  	p0 =	sne.s32 s24, $0x4800;
	s24 =	sadd.s32 $0x400, s24;
	_ =	swait.ge [sflag:s19], $0x4000  }
0x39: {  	s25 =	sshra.s32 s25, $0x2;
	[sflag:s19] =	ssyncset.done $0x0  }
0x3a: {  	s26 =	sadd.s32 $0x1400, s25;
	[sflag:s19] =	ssyncadd.s32 $0xFFFFC000  }
0x3b: {  	[spmem:s3] =	stream.indirect.scatter.add.f32 [tilespmem:s17], [sflag:$0x3], $0x80, s26, s16, $0xb8;
	[tilespmem:$0x1E800] =	vst v63  }
0x3c: {  	_ =	swait.ge [sflag:s14], $0x4000  }
0x3d: {  	[sflag:s14] =	ssyncset.done $0x0  }
0x3e: {  	s26 =	sadd.s32 $0x100, s25;
	[sflag:s14] =	ssyncadd.s32 $0xFFFFC000  }
0x3f: {  	[tilespmem:s17], [sflag:$0x1] =	stream.indirect.gather [hbm4b:s5+s16], $0x80, s26, s16, $0xb8;
	[tilespmem:$0x1E800] =	vst v63  }
0x40: {  	_ =	swait.ge [sflag:s20], $0x4000  }
0x41: {  	[sflag:s20] =	ssyncset.done $0x0  }
.Ltmp0:
0x42: {  	s26 =	sadd.s32 $0x1480, s25;
	[sflag:s20] =	ssyncadd.s32 $0xFFFFC000;
	(pc) =	sbr.rel @p0 .LBB2_3-.Ltmp0, $4  }
0x43: {  	[spmem:s3] =	stream.indirect.scatter.add.f32 [tilespmem:s18], [sflag:$0x3], $0x80, s26, s16, $0xb8;
	[tilespmem:$0x1E800] =	vst v63  }
0x44: {  	_ =	swait.ge [sflag:s14], $0x4000  }
0x45: {  	[sflag:s14] =	ssyncset.done $0x0  }
0x46: {  	s25 =	sadd.s32 $0x180, s25;
	[sflag:s14] =	ssyncadd.s32 $0xFFFFC000  }
0x47: {  	[tilespmem:s18], [sflag:$0x2] =	stream.indirect.gather [hbm4b:s5+s16], $0x80, s25, s16, $0xb8;
	[tilespmem:$0x1E800] =	vst v63  }
0x48: {  	_ =	swait.ge [sflag:s19], $0x4000  }
0x49: {  	[sflag:s19] =	ssyncset.done $0x0  }
0x4a: {  	[sflag:s19] =	ssyncadd.s32 $0xFFFFC000  }
0x4b: {  	[spmem:s3] =	stream.indirect.scatter.add.f32 [tilespmem:s17], [sflag:$0x3], $0x80, s21, s16, $0xb8;
	[tilespmem:$0x1E800] =	vst v63  }
0x4c: {  	_ =	swait.ge [sflag:s14], $0x4000  }
0x4d: {  	[sflag:s14] =	ssyncset.done $0x0  }
0x4e: {  	[sflag:s14] =	ssyncadd.s32 $0xFFFFC000  }
0x4f: {  	s23 =	sadd.s32 $0x1, s23;
	_ =	swait.ge [sflag:s20], $0x4000  }
0x50: {  	p0 =	sne.s32 s23, $0x4;
	[sflag:s20] =	ssyncset.done $0x0  }
.Ltmp1:
0x51: {  	[sflag:s20] =	ssyncadd.s32 $0xFFFFC000;
	(pc) =	sbr.rel @p0 .LBB2_2-.Ltmp1, $4  }
0x52: {  	[spmem:s3] =	stream.indirect.scatter.add.f32 [tilespmem:s18], [sflag:$0x3], $0x80, s22, s16, $0xb8;
	[tilespmem:$0x1E800] =	vst v63  }
0x53: {  	_ =	swait.ge [sflag:s14], $0x4000  }
0x54: {  	[sflag:s14] =	ssyncset.done $0x0  }
0x55: {  	[sflag:s14] =	ssyncadd.s32 $0xFFFFC000  }
0x56: {  	s4 =	sadd.s32 $0x1, s4  }
0x57: {  	p0 =	sne.s32 s4, s12  }
.Ltmp2:
0x58: {  	[bflag:$0x0] =	sbarrier.arrive $0xFFFF;
	(pc) =	sbr.rel @p0 .LBB2_1-.Ltmp2, $4  }
0x59: {  	[hbm:s11], [sflag:s9] =	dma.local [spmem:s13], $0x2800  }
0x5a: {  	_ =	swait.ge [sflag:s14], $0x2800  }
0x5b: {  	[sflag:s14] =	ssyncset.done $0x0  }
0x5c: {  	[sflag:s14] =	ssyncadd.s32 $0xFFFFD800  }
0x5d: {  	_ =	sfence.sel $0x180000  }
0x5e: {  	[bflag:$0x0] =	sbarrier.arrive $0xFFFF  }
0x5f: {  	p0 =	sne.s32 s1, $0x0;
	_ =	strace $0x9000004D  }
0x60: {  	s0 =	sadd.s32 @!p0 $0x100000, s0;
	[bflag:$0x2] =	sbarrier.arrive $0xFFFF  }
0x61: {  	[sflag:s0] =	ssyncadd.tile.s32 @!p0 $0x1;
	_ =	shalt  }
.Lfunc_end2:
_tile_overlayer_lowered:
.L_overlay_start_2:
0x62: {  	(tag) =	ssettag $0x2  }
0x63: {  	s0 =	rddreg [dreg:$0x0];
	s2 =	stileid.u32  }
0x64: {  	s1 =	rddreg [dreg:$0x1];
	p0 =	sne.s32 s2, $0x0  }
0x65: {  	s3 =	rddreg [dreg:$0x2];
	[bflag:$0x3] =	sbarrier.arrive $0xFFFF;
	s2 =	simm.s32 @!p0 $0x1C03  }
0x66: {  	[timem:s3], [sflag:s2] =	dma.local @!p0 [hbm:s0], s1  }
0x67: {  	s0 =	simm.s32 @!p0 $0x3  }
0x68: {  	_ =	swait.ge @!p0 [sflag:s0], s1  }
0x69: {  	s1 =	ssub.s32 @!p0 $0x0, s1;
	[sflag:s0] =	ssyncset.done @!p0 $0x0  }
0x6a: {  	[sflag:s0] =	ssyncadd.s32 @!p0 s1  }
0x6b: {  	[bflag:$0x3] =	sbarrier.arrive $0xFFFF  }
0x6c: {  	_ =	shalt  }

// kernel: kernel.8.cloned.1.call-start
scs
__scs_entry_jumppad:
0x0: {  	(pc) =	sbr.rel $0x88, $3  }
0x1: {  	(tag) =	ssettag $0x0;
	lr =	simm.s32 $0x1  }
0x2: {  	[smem:$0x3F99] =	sst lr;
	_ =	strace $0xD0000000  }
0x3: {  	_ = 	snop  }
0x4: {  	_ = 	snop  }
0x5: {  	_ = 	snop  }
0x6: {  	_ = 	snop  }
0x7: {  	_ = 	snop  }
__scs_overlays_trampoline_lowered:
0x8: {  	[smem:$0x3FA8] =	sst s0  }
0x9: {  	[smem:$0x3FA9] =	sst s1  }
0xa: {  	[smem:$0x3FAA] =	sst s2  }
0xb: {  	[smem:$0x3FAB] =	sst s3  }
0xc: {  	[smem:$0x3FAC] =	sst s4  }
0xd: {  	[smem:$0x3FAD] =	sst s5  }
0xe: {  	[smem:$0x3FAE] =	sst s6  }
0xf: {  	[smem:$0x3FAF] =	sst s7  }
0x10: {  	[smem:$0x3FB0] =	sst s8  }
0x11: {  	[smem:$0x3FB1] =	sst s9;
	s0 =	simm.s32 @!p0 $0x0  }
0x12: {  	s1 =	sld [smem:$0x3F97];
	s0 =	simm.s32 @p0 $0x1  }
0x13: {  	[smem:$0x3FB2] =	sst s0;
	s0 =	simm.s32 @!p1 $0x0  }
0x14: {  	s2 =	sld [smem:$0x3F96];
	s0 =	simm.s32 @p1 $0x1  }
0x15: {  	[smem:$0x3FB3] =	sst s0;
	s0 =	simm.s32 @!p2 $0x0  }
0x16: {  	s3 =	sld [smem:$0x3FDB];
	s0 =	simm.s32 @p2 $0x1  }
0x17: {  	s4 =	simm.s32 $0x1BF5;
	[smem:$0x3FB5] =	sst s0  }
0x18: {  	s0 =	sld [smem:$0x3F98];
	_ =	swait.ge [sflag:s4], $0x0  }
0x19: {  	s7 =	sld [smem:$0x3F99]  }
0x1a: {  	s8 =	sadd.s32 $0xFFFFE003, lr  }
0x1b: {  	s9 =	sadd.s32 $0xFFFFFEF7, lr;
	s5 =	simm.s32 $0xFFFFFFFF;
	p2 =	slt.u32 s8, $0xFFFFF086  }
0x1c: {  	p1 =	slt.u32 s9, $0xF7A;
	s5 =	simm.s32 @!p2 $0x0  }
0x1d: {  	s5 =	simm.s32 @p1 $0x1;
	p0 =	seq.s32 s7, s2  }
0x1e: {  	s7 =	smul.u32 @!p0 $0xF7A, s2;
	p2 =	seq.s32 @!p0 s5, $0x0  }
0x1f: {  	s9 =	smul.u32 $0xF7A, s1;
	s8 =	simm.s32 @!p0 $0x1BF5;
	p2 =	por !p2, p0  }
0x20: {  	[sflag:s8] =	ssyncset.s32 @!p0 $0xFFFFF086;
	s6 =	sadd.s32 @!p0 s3, s7;
	s7 =	simm.s32 @!p0 $0x108  }
0x21: {  	s3 =	sadd.s32 s3, s9;
	s6 =	sadd.s32 @!p0 $0x88, s6;
	s7 =	simm.s32 @p2 $0x1082  }
0x22: {  	[simem:s7], [sflag:s8] =	dma.local @!p0 [hbm:s6], $0xF7A  }
0x23: {  	s9 =	sor.u32 $0xD0000000, s2;
	s6 =	simm.s32 $0x108;
	_ =	swait.ge @!p0 [sflag:s8], $0x0  }
0x24: {  	s3 =	sadd.s32 $0x88, s3;
	s6 =	simm.s32 @!p1 $0x1082;
	[sflag:s4] =	ssyncset.s32 $0xFFFFF086  }
0x25: {  	[simem:s6], [sflag:s4] =	dma.local [hbm:s3], $0xF7A  }
0x26: {  	[smem:$0x3F99] =	sst s1;
	(tag) =	ssettag s2;
	_ =	strace s9  }
0x27: {  	s1 =	sld [smem:$0x3FA9]  }
0x28: {  	s2 =	sld [smem:$0x3FAA]  }
0x29: {  	s4 =	sld [smem:$0x3FAC]  }
0x2a: {  	p0 =	seq.s32 s5, $0x0;
	s5 =	sld [smem:$0x3FAD]  }
0x2b: {  	s6 =	sld [smem:$0x3FAE]  }
0x2c: {  	s7 =	sld [smem:$0x3FAF]  }
0x2d: {  	s3 =	simm.s32 $0x108;
	s8 =	sld [smem:$0x3FB0]  }
0x2e: {  	s3 =	simm.s32 @!p0 $0x1082;
	s9 =	sld [smem:$0x3FB1]  }
0x2f: {  	lr =	sadd.s32 s0, s3;
	s0 =	sld [smem:$0x3FA8]  }
0x30: {  	s3 =	sld [smem:$0x3FAB]  }
0x31: {  	[smem:$0x3FB4] =	sst s10  }
0x32: {  	s10 =	sld [smem:$0x3FB2];
	_ =	sdelay $0x3  }
0x33: {  	p0 =	seq.s32 s10, $0x1;
	s10 =	sld [smem:$0x3FB4];
	_ =	sdelay $0x3  }
0x34: {  	[smem:$0x3FB4] =	sst s10  }
0x35: {  	s10 =	sld [smem:$0x3FB3];
	_ =	sdelay $0x3  }
0x36: {  	p1 =	seq.s32 s10, $0x1;
	s10 =	sld [smem:$0x3FB4];
	_ =	sdelay $0x3  }
0x37: {  	[smem:$0x3FB4] =	sst s10  }
0x38: {  	s10 =	sld [smem:$0x3FB5]  }
0x39: {  	_ = 	snop;
	(pc) =	sbr.ind lr, $3  }
0x3a: {  	_ = 	snop  }
0x3b: {  	_ = 	snop  }
0x3c: {  	p2 =	seq.s32 s10, $0x1;
	s10 =	sld [smem:$0x3FB4]  }
0x3d: {  	_ =	shalt  }
0x3e: {  	_ =	shalt  }
0x3f: {  	_ =	shalt  }
0x40: {  	_ =	shalt  }
0x41: {  	_ =	shalt  }
0x42: {  	_ =	shalt  }
0x43: {  	_ =	shalt  }
0x44: {  	_ =	shalt  }
0x45: {  	_ =	shalt  }
0x46: {  	_ =	shalt  }
0x47: {  	_ =	shalt  }
0x48: {  	_ =	shalt  }
0x49: {  	_ =	shalt  }
0x4a: {  	_ =	shalt  }
0x4b: {  	_ =	shalt  }
0x4c: {  	_ =	shalt  }
0x4d: {  	_ =	shalt  }
0x4e: {  	_ =	shalt  }
0x4f: {  	_ =	shalt  }
0x50: {  	_ =	shalt  }
0x51: {  	_ =	shalt  }
0x52: {  	_ =	shalt  }
0x53: {  	_ =	shalt  }
0x54: {  	_ =	shalt  }
0x55: {  	_ =	shalt  }
0x56: {  	_ =	shalt  }
0x57: {  	_ =	shalt  }
0x58: {  	_ =	shalt  }
0x59: {  	_ =	shalt  }
0x5a: {  	_ =	shalt  }
0x5b: {  	_ =	shalt  }
0x5c: {  	_ =	shalt  }
0x5d: {  	_ =	shalt  }
0x5e: {  	_ =	shalt  }
0x5f: {  	_ =	shalt  }
0x60: {  	_ =	shalt  }
0x61: {  	_ =	shalt  }
0x62: {  	_ =	shalt  }
0x63: {  	_ =	shalt  }
0x64: {  	_ =	shalt  }
0x65: {  	_ =	shalt  }
0x66: {  	_ =	shalt  }
0x67: {  	_ =	shalt  }
0x68: {  	_ =	shalt  }
0x69: {  	_ =	shalt  }
0x6a: {  	_ =	shalt  }
0x6b: {  	_ =	shalt  }
0x6c: {  	_ =	shalt  }
0x6d: {  	_ =	shalt  }
0x6e: {  	_ =	shalt  }
0x6f: {  	_ =	shalt  }
0x70: {  	_ =	shalt  }
0x71: {  	_ =	shalt  }
0x72: {  	_ =	shalt  }
0x73: {  	_ =	shalt  }
0x74: {  	_ =	shalt  }
0x75: {  	_ =	shalt  }
0x76: {  	_ =	shalt  }
0x77: {  	_ =	shalt  }
0x78: {  	_ =	shalt  }
0x79: {  	_ =	shalt  }
0x7a: {  	_ =	shalt  }
0x7b: {  	_ =	shalt  }
0x7c: {  	_ =	shalt  }
0x7d: {  	_ =	shalt  }
0x7e: {  	_ =	shalt  }
0x7f: {  	_ =	shalt  }
0x80: {  	_ =	shalt  }
0x81: {  	_ =	shalt  }
0x82: {  	_ =	shalt  }
0x83: {  	_ =	shalt  }
0x84: {  	_ =	shalt  }
0x85: {  	_ =	shalt  }
0x86: {  	_ =	shalt  }
0x87: {  	_ =	shalt  }
.Lfunc_end0:
.L_simem_size_0:
called_computation_lowered:
.L_overlay_start_0:
0x88: {  	s2 =	sld [smem:$0x3FD9]  }
0x89: {  	s3 =	sld [smem:$0x3FFE];
	_ =	sdelay $0x1  }
0x8a: {  	s1 =	srdreg.scid  }
0x8b: {  	s0 =	sand.u32 $0x1, s1  }
0x8c: {  	s16 =	sshll.u32 s0, $0xA;
	s2 =	sadd.s32 s3, s2  }
0x8d: {  	s2 =	sadd.s32 s2, s16  }
0x8e: {  	[smem:$0x3FC0] =	sst s2  }
0x8f: {  	_ = 	snop  }
0x90: {  	(tm) =	ssettm $0x1  }
0x91: {  	s17 =	sld [smem:$0x3FFB];
	_ =	sdelay $0x3  }
0x92: {  	_ =	strace s17  }
0x93: {  	s2 =	sld [smem:$0x3FFC];
	_ =	sdelay $0x3  }
0x94: {  	_ =	strace s2  }
0x95: {  	s2 =	sld [smem:$0x3FFD];
	_ =	sdelay $0x3  }
0x96: {  	_ =	strace s2  }
0x97: {  	_ =	strace $0x8FFFFFFF  }
0x98: {  	s18 =	sld [smem:$0x3FDB];
	_ =	sdelay $0x1  }
0x99: {  	s19 =	simm.s32 $_scs_section_size  }
0x9a: {  	s4 =	simm.s32 $_size__tile_overlayer_lowered;
	s5 =	simm.s32 $_tile_overlayer_lowered  }
0x9b: {  	s22 =	simm.s32 $0x1BFF;
	s21 =	sshll.u32 s5, $0x1;
	s2 =	sadd.s32 s19, s18  }
0x9c: {  	s6 =	simm.s32 $0x0;
	s20 =	sshll.u32 s4, $0x1;
	s4 =	sadd.s32 s21, s2  }
0x9d: {  	[timem:s6], [sflag:s22] =	dma.local [hbm:s4], s20  }
0x9e: {  	_ =	swait.ge [sflag:s22], s20  }
0x9f: {  	s3 =	ssub.s32 $0x0, s20;
	[sflag:s22] =	ssyncset.done $0x0  }
0xa0: {  	[sflag:s22] =	ssyncadd.s32 s3;
	_ =	sdelay $0x1  }
0xa1: {  	s23 =	simm.s32 $0x1B8B  }
0xa2: {  	_ =	swait.ge [sflag:s23], $0x1  }
0xa3: {  	[sflag:s23] =	ssyncset.done $0x0  }
0xa4: {  	s25 =	simm.s32 $0x1B8E;
	s24 =	sld [smem:$0x3FFE];
	[sflag:s23] =	ssyncadd.s32 $0xFFFFFFFF  }
0xa5: {  	s26 =	simm.s32 $execute0_lowered;
	[smem:$0x3FD2] =	sst s25  }
0xa6: {  	s4 =	sshll.u32 s26, $0x1;
	_ =	strace $0x80000046;
	[dreg:$0x1] =	wrdreg $0xFFFFFFFF  }
0xa7: {  	s28 =	simm.s32 $_size_execute0_lowered;
	s2 =	sadd.s32 s2, s4;
	[dreg:$0x0] =	wrdreg $0x0  }
0xa8: {  	s4 =	sshll.u32 s28, $0x1;
	[dreg:$0x2] =	wrdreg s2  }
0xa9: {  	[dreg:$0x3] =	wrdreg s4  }
0xaa: {  	[dreg:$0x4] =	wrdreg $0xC0  }
0xab: {  	_ =	task [dreg:s6], $0x5FFFF  }
0xac: {  	[dreg:$0x1] =	wrdreg $0xFFFFFFFF  }
0xad: {  	[dreg:$0x0] =	wrdreg $0x60  }
0xae: {  	[dreg:$0x2] =	wrdreg s24  }
0xaf: {  	[dreg:$0x3] =	wrdreg $0x68000  }
0xb0: {  	[dreg:$0x4] =	wrdreg $0x9  }
0xb1: {  	_ =	task.clear_ibuf [dreg:s6], $0x5FFFF;
	_ =	strace $0x90000046  }
0xb2: {  	s29 =	simm.s32 $0x9;
	_ =	strace $0x80000048  }
0xb3: {  	_ =	swait.ge [sflag:s29], $0x1  }
0xb4: {  	[sflag:s29] =	ssyncadd.s32 $0xFFFFFFFF  }
0xb5: {  	_ =	strace $0x90000048  }
0xb6: {  	_ =	sfence  }
0xb7: {  	s30 =	sld [smem:$0x0];
	_ =	sdelay $0x2  }
0xb8: {  	s31 =	sshll.u32 s1, $0xD;
	s1 =	sshrl.u32 s1, $0x2  }
0xb9: {  	s3 =	sand.u32 $0x4000, s31;
	s1 =	sadd.s32 s1, s30  }
0xba: {  	s0 =	sor.u32 s3, s0;
	s1 =	sshll.u32 s1, $0x11  }
0xbb: {  	s0 =	sor.u32 s1, s0  }
0xbc: {  	s0 =	sadd.s32 $0x8F2B, s0  }
0xbd: {  	[sflag:s0] =	ssyncadd.remote.s32 $0x1  }
0xbe: {  	_ =	sfence.sel $0xFFFF  }
0xbf: {  	[dreg:$0x0] =	wrdreg $0xFFFFFFFF;
	(pc) =	sbr.abs _section_cstart, $3  }
0xc0: {  	[dreg:$0x1] =	wrdreg $0xFFFFFFFF  }
0xc1: {  	_ =	task.clear_ibuf [dreg:s6], $0x2FFFF;
	_ =	strace $0x9FFFFFFF  }
0xc2: {  	(tm) =	ssettm $0x7FFFFFFF  }
0xc3: {  	_ =	shalt  }
tec
execute0_lowered:
.L_overlay_start_1:
0x0: {  	(tag) =	ssettag $0x1  }
0x1: {  	s0 =	srdreg.scid;
	s5 =	rddreg [dreg:$0x0]  }
0x2: {  	s2 =	rddreg [dreg:$0x1];
	s4 =	sand.u32 $0x1, s0  }
0x3: {  	s0 =	stileid.u32;
	s6 =	smul.u32 $0x28000, s4  }
0x4: {  	s1 =	rddreg [dreg:$0x2];
	s3 =	simm.s32 $0x0;
	s7 =	smul.u32 $0x2800, s0  }
0x5: {  	s14 =	simm.s32 $0x0;
	[smem:$0x7FF] =	sst s3;
	s8 =	smul.u32 $0x14000, s0  }
0x6: {  	s9 =	smul.u32 $0x140000, s4;
	_ =	strace $0x80000047;
	s28 =	ssub.s32 $0x2, s4  }
0x7: {  	s29 =	smul.u32 $0x50000, s0;
	s4 =	sadd.s32 $0xC200, s5;
	s31 =	sshll.u32 s0, $0x6  }
0x8: {  	s11 =	sshrl.u32 s28, $0x1;
	s6 =	sadd.s32 s7, s6;
	s24 =	sshrl.u32 s8, $0x3  }
0x9: {  	s26 =	sadd.s32 s8, s9;
	s11 =	ssub.s32 s28, s11;
	s30 =	sshrl.u32 s29, $0x2  }
0xa: {  	s6 =	sshrl.u32 s6, $0x3;
	s25 =	sadd.s32 s24, s5;
	s7 =	sshrl.u32 s26, $0x3  }
0xb: {  	s13 =	sadd.s32 s30, s2;
	s9 =	smax.u32 s11, $0x1;
	s11 =	simm.s32 $0x1  }
0xc: {  	s10 =	sadd.s32 s6, s5;
	s12 =	sadd.s32 s7, s5;
	s5 =	sadd.s32 $0xCA00, s25  }
0xd: {  	s6 =	sor.u32 $0x1C01, s31;
	s7 =	sadd.s32 $0x2200, s10;
	s8 =	sadd.s32 $0x34A00, s12  }
0xe: {  	s10 =	sshrl.u32 s13, $0x3;
	s12 =	simm.s32 $0x2800;
	s13 =	simm.s32 $0x80  }
.LBB2_1:
0xf: {  	[spmem:s10], [sflag:s6] =	dma.local [hbm:s5], $0x2800  }
0x10: {  	_ =	swait.ge [sflag:s11], $0x2800  }
0x11: {  	[sflag:s11] =	ssyncset.done $0x0  }
0x12: {  	[sflag:s11] =	ssyncadd.s32 $0xFFFFD800  }
0x13: {  	[tilespmem:s12], [sflag:$0x1] =	stream.linear.gather [hbm4b:s4+s3], $0x4000, $0x38;
	[tilespmem:$0x1A800] =	vst v63  }
0x14: {  	_ =	swait.ge [sflag:s11], $0x4000  }
0x15: {  	[sflag:s11] =	ssyncset.done $0x0  }
0x16: {  	[sflag:s11] =	ssyncadd.s32 $0xFFFFC000  }
0x17: {  	[tilespmem:s3], [sflag:$0x1] =	stream.linear.gather [hbm4b:s7+s3], $0x2800, $0x38;
	[tilespmem:$0x1A800] =	vst v63  }
0x18: {  	_ =	swait.ge [sflag:s11], $0x2800  }
0x19: {  	[sflag:s11] =	ssyncset.done $0x0  }
0x1a: {  	[sflag:s11] =	ssyncadd.s32 $0xFFFFD800  }
0x1b: {  	s15 =	simm.s32 $0x0;
	[bflag:$0x0] =	sbarrier.arrive $0xFFFF  }
0x1c: {  	[spmem:s2] =	stream.indirect.scatter.add.f32 [tilespmem:s12], [sflag:$0x1], $0x80, s15, s13, $0xb8;
	[tilespmem:$0x1A800] =	vst v63  }
0x1d: {  	_ =	swait.ge [sflag:s11], $0x4000  }
0x1e: {  	s15 =	simm.s32 $0x200;
	[sflag:s11] =	ssyncset.done $0x0  }
.LBB2_2:
0x1f: {  	s16 =	sshra.s32 s15, $0x2;
	[sflag:s11] =	ssyncadd.s32 $0xFFFFC000;
	p0 =	sne.s32 s15, $0x9E00  }
0x20: {  	[spmem:s2] =	stream.indirect.scatter.add.f32 [tilespmem:s12], [sflag:$0x1], $0x80, s16, s13, $0xb8;
	[tilespmem:$0x1A800] =	vst v63  }
.Ltmp0:
0x21: {  	_ = 	snop;
	(pc) =	sbr.rel @p0 .LBB2_2-.Ltmp0, $4  }
0x22: {  	_ = 	snop  }
0x23: {  	s15 =	sadd.s32 $0x200, s15  }
0x24: {  	_ =	swait.ge [sflag:s11], $0x4000  }
0x25: {  	[sflag:s11] =	ssyncset.done $0x0  }
0x26: {  	s14 =	sadd.s32 $0x1, s14  }
0x27: {  	[sflag:s11] =	ssyncadd.s32 $0xFFFFC000;
	p0 =	sne.s32 s14, s9  }
.Ltmp1:
0x28: {  	[bflag:$0x0] =	sbarrier.arrive $0xFFFF;
	(pc) =	sbr.rel @p0 .LBB2_1-.Ltmp1, $4  }
0x29: {  	[hbm:s8], [sflag:s6] =	dma.local [spmem:s10], $0x2800  }
0x2a: {  	_ =	swait.ge [sflag:s11], $0x2800  }
0x2b: {  	[sflag:s11] =	ssyncset.done $0x0  }
0x2c: {  	[sflag:s11] =	ssyncadd.s32 $0xFFFFD800  }
0x2d: {  	_ =	sfence.sel $0x180000  }
0x2e: {  	[bflag:$0x0] =	sbarrier.arrive $0xFFFF  }
0x2f: {  	p0 =	sne.s32 s0, $0x0;
	_ =	strace $0x90000047  }
0x30: {  	s0 =	sadd.s32 @!p0 $0x100000, s1;
	[bflag:$0x2] =	sbarrier.arrive $0xFFFF  }
0x31: {  	[sflag:s0] =	ssyncadd.tile.s32 @!p0 $0x1;
	_ =	shalt  }
.Lfunc_end2:
_tile_overlayer_lowered:
.L_overlay_start_2:
0x32: {  	(tag) =	ssettag $0x2  }
0x33: {  	s0 =	rddreg [dreg:$0x0];
	s2 =	stileid.u32  }
0x34: {  	s1 =	rddreg [dreg:$0x1];
	p0 =	sne.s32 s2, $0x0  }
0x35: {  	s3 =	rddreg [dreg:$0x2];
	[bflag:$0x3] =	sbarrier.arrive $0xFFFF;
	s2 =	simm.s32 @!p0 $0x1C01  }
0x36: {  	[timem:s3], [sflag:s2] =	dma.local @!p0 [hbm:s0], s1  }
0x37: {  	s0 =	simm.s32 @!p0 $0x1  }
0x38: {  	_ =	swait.ge @!p0 [sflag:s0], s1  }
0x39: {  	s1 =	ssub.s32 @!p0 $0x0, s1;
	[sflag:s0] =	ssyncset.done @!p0 $0x0  }
0x3a: {  	[sflag:s0] =	ssyncadd.s32 @!p0 s1  }
0x3b: {  	[bflag:$0x3] =	sbarrier.arrive $0xFFFF  }
0x3c: {  	_ =	shalt  }

</sc_bundles>
